<compile_context>
chip_gen: v7x
topology: tpu7x:2x2x1
jax: 0.10.2.dev20260603
libtpu: 0.0.44.dev20260713+nightly
codegen_flags: <defaults>
</compile_context>

<pallas_src>
import functools

import jax
import jax.numpy as jnp
from jax import lax
from jax.experimental import pallas as pl
from jax.experimental.pallas import tpu as pltpu
from jax.experimental.pallas import tpu_sc as plsc

NC = 2
NS = 16
NW = NC * NS
CH = 128
LANES = 16


def _make_deg(n_pad, nblk):
    rows_pt = n_pad // NS
    mesh = plsc.VectorSubcoreMesh(core_axis_name="c", subcore_axis_name="s")

    @functools.partial(
        pl.kernel, mesh=mesh,
        compiler_params=pltpu.CompilerParams(use_tc_tiling_on_sc=False),
        out_type=jax.ShapeDtypeStruct((NC * n_pad,), jnp.float32),
        scratch_types=[
            pltpu.VMEM((nblk, CH), jnp.int32),
            pltpu.VMEM((CH,), jnp.float32),
            pltpu.VMEM((rows_pt,), jnp.float32),
            pltpu.MemorySpace.VMEM_SHARED((n_pad,), jnp.float32),
            pltpu.SemaphoreType.DMA,
        ],
    )
    def deg(dst_hbm, out_hbm, dstb, ones, zbuf, acc, sem):
        cid = lax.axis_index("c")
        sid = lax.axis_index("s")
        wid = sid * NC + cid
        r0 = sid * rows_pt
        idx_cp = pltpu.async_copy(dst_hbm.at[wid], dstb, sem)
        zv = jnp.zeros((LANES,), jnp.float32)
        ov = jnp.ones((LANES,), jnp.float32)
        for i in range(CH // LANES):
            ones[pl.ds(i * LANES, LANES)] = ov

        def zbody(i, c):
            zbuf[pl.ds(i * LANES, LANES)] = zv
            return c

        lax.fori_loop(0, rows_pt // LANES, zbody, 0)
        pltpu.sync_copy(zbuf, acc.at[pl.ds(r0, rows_pt)])
        plsc.subcore_barrier()
        idx_cp.wait()

        def body(j, c):
            pltpu.async_copy(ones, acc.at[dstb.at[j]], sem, add=True)
            return c

        lax.fori_loop(0, nblk, body, 0)

        def dbody(j, c):
            pltpu.make_async_copy(ones, acc.at[dstb.at[j]], sem).wait()
            return c

        lax.fori_loop(0, nblk, dbody, 0)
        plsc.subcore_barrier()
        pltpu.sync_copy(acc.at[pl.ds(r0, rows_pt)],
                        out_hbm.at[pl.ds(cid * n_pad + r0, rows_pt)])

    return deg


def _make_agg(n_pad, hid, nblk):
    rows_pt = n_pad // NS
    mesh = plsc.VectorSubcoreMesh(core_axis_name="c", subcore_axis_name="s")

    @functools.partial(
        pl.kernel, mesh=mesh,
        compiler_params=pltpu.CompilerParams(use_tc_tiling_on_sc=False),
        out_type=jax.ShapeDtypeStruct((NC, n_pad, hid), jnp.float32),
        scratch_types=[
            pltpu.VMEM((nblk, CH), jnp.int32),
            pltpu.VMEM((nblk, CH), jnp.int32),
            pltpu.VMEM((CH, hid), jnp.float32),
            pltpu.VMEM((CH, hid), jnp.float32),
            pltpu.VMEM((CH, hid), jnp.float32),
            pltpu.VMEM((CH, hid), jnp.float32),
            pltpu.VMEM((rows_pt, hid), jnp.float32),
            pltpu.MemorySpace.VMEM_SHARED((n_pad, hid), jnp.float32),
            pltpu.SemaphoreType.DMA,
            pltpu.SemaphoreType.DMA,
        ],
    )
    def agg(src_hbm, dst_hbm, hp_hbm, out_hbm, srcb, dstb, msg0, msg1, msg2,
            msg3, zbuf, acc, sem_g, sem_s):
        cid = lax.axis_index("c")
        sid = lax.axis_index("s")
        wid = sid * NC + cid
        r0 = sid * rows_pt
        src_cp = pltpu.async_copy(src_hbm.at[wid], srcb, sem_g)
        dst_cp = pltpu.async_copy(dst_hbm.at[wid], dstb, sem_g)
        zv = jnp.zeros((LANES,), jnp.float32)

        def zbody(i, c):
            zbuf[i, :] = zv
            return c

        lax.fori_loop(0, rows_pt, zbody, 0)
        pltpu.sync_copy(zbuf, acc.at[pl.ds(r0, rows_pt)])
        plsc.subcore_barrier()
        src_cp.wait()
        dst_cp.wait()

        msg = (msg0, msg1, msg2, msg3)
        ring = len(msg)

        def chunk(j, b):
            @pl.when(j >= ring)
            def _():
                pltpu.make_async_copy(msg[b], acc.at[dstb.at[j - ring]],
                                      sem_s).wait()

            pltpu.async_copy(hp_hbm.at[srcb.at[j]], msg[b], sem_g).wait()
            pltpu.async_copy(msg[b], acc.at[dstb.at[j]], sem_s, add=True)

        def body(g, c):
            for b in range(ring):
                chunk(g * ring + b, b)
            return c

        lax.fori_loop(0, nblk // ring, body, 0)
        for j in range((nblk // ring) * ring, nblk):
            chunk(j, j % ring)
        for j in range(max(0, nblk - ring), nblk):
            pltpu.make_async_copy(msg[j % ring], acc.at[dstb.at[j]],
                                  sem_s).wait()
        plsc.subcore_barrier()
        pltpu.sync_copy(acc.at[pl.ds(r0, rows_pt)],
                        out_hbm.at[cid, pl.ds(r0, rows_pt)])

    return agg


_BLK = 2000


def _tc_mm(x, w):
    n, f_in = x.shape
    hid = w.shape[1]

    def body(x_ref, w_ref, o_ref):
        o_ref[...] = jnp.dot(x_ref[...], w_ref[...],
                             preferred_element_type=jnp.float32)

    return pl.pallas_call(
        body,
        grid=(n // _BLK,),
        in_specs=[
            pl.BlockSpec((_BLK, f_in), lambda i: (i, 0)),
            pl.BlockSpec((f_in, hid), lambda i: (0, 0)),
        ],
        out_specs=pl.BlockSpec((_BLK, hid), lambda i: (i, 0)),
        out_shape=jax.ShapeDtypeStruct((n, hid), jnp.float32),
    )(x, w)


def _tc_scale(d0, d1, xw1):
    n, hid = xw1.shape

    def body(d0_ref, d1_ref, xw_ref, dinv_ref, hp_ref):
        dinv = lax.rsqrt(d0_ref[...] + d1_ref[...] + 1.0)
        dinv_ref[...] = dinv
        hp_ref[...] = xw_ref[...] * dinv

    return pl.pallas_call(
        body,
        grid=(n // _BLK,),
        in_specs=[
            pl.BlockSpec((_BLK, 1), lambda i: (i, 0)),
            pl.BlockSpec((_BLK, 1), lambda i: (i, 0)),
            pl.BlockSpec((_BLK, hid), lambda i: (i, 0)),
        ],
        out_specs=(pl.BlockSpec((_BLK, 1), lambda i: (i, 0)),
                   pl.BlockSpec((_BLK, hid), lambda i: (i, 0))),
        out_shape=(jax.ShapeDtypeStruct((n, 1), jnp.float32),
                   jax.ShapeDtypeStruct((n, hid), jnp.float32)),
    )(d0, d1, xw1)


def _tc_layer1(p, hp1, dinv, b1):
    n, hid = hp1.shape

    def body(p_ref, hp_ref, dinv_ref, b_ref, h_ref, hh_ref):
        agg = p_ref[0] + p_ref[1] + hp_ref[...]
        h = jax.nn.relu(agg * dinv_ref[...] + b_ref[...])
        h_ref[...] = h
        hh_ref[...] = h * dinv_ref[...]

    return pl.pallas_call(
        body,
        grid=(n // _BLK,),
        in_specs=[
            pl.BlockSpec((2, _BLK, hid), lambda i: (0, i, 0)),
            pl.BlockSpec((_BLK, hid), lambda i: (i, 0)),
            pl.BlockSpec((_BLK, 1), lambda i: (i, 0)),
            pl.BlockSpec((1, hid), lambda i: (0, 0)),
        ],
        out_specs=(pl.BlockSpec((_BLK, hid), lambda i: (i, 0)),
                   pl.BlockSpec((_BLK, hid), lambda i: (i, 0))),
        out_shape=(jax.ShapeDtypeStruct((n, hid), jnp.float32),
                   jax.ShapeDtypeStruct((n, hid), jnp.float32)),
    )(p, hp1, dinv, b1)


def _tc_layer2(q, hh, dinv, w2, b2):
    n, hid = hh.shape
    ncls = w2.shape[1]

    def body(q_ref, hh_ref, dinv_ref, w_ref, b_ref, o_ref):
        agg = q_ref[0] + q_ref[1] + hh_ref[...]
        o_ref[...] = (jnp.dot(agg, w_ref[...],
                              preferred_element_type=jnp.float32)
                      * dinv_ref[...] + b_ref[...])

    return pl.pallas_call(
        body,
        grid=(n // _BLK,),
        in_specs=[
            pl.BlockSpec((2, _BLK, hid), lambda i: (0, i, 0)),
            pl.BlockSpec((_BLK, hid), lambda i: (i, 0)),
            pl.BlockSpec((_BLK, 1), lambda i: (i, 0)),
            pl.BlockSpec((hid, ncls), lambda i: (0, 0)),
            pl.BlockSpec((1, ncls), lambda i: (0, 0)),
        ],
        out_specs=pl.BlockSpec((_BLK, ncls), lambda i: (i, 0)),
        out_shape=jax.ShapeDtypeStruct((n, ncls), jnp.float32),
    )(q, hh, dinv, w2, b2)


def kernel(x, edge_index, W1, b1, W2, b2):
    n, f_in = x.shape
    hid = W1.shape[1]
    ncls = W2.shape[1]
    e = edge_index.shape[1]
    assert hid == LANES

    rows_pt = -(-n // NS)
    rows_pt = -(-rows_pt // 128) * 128
    n_pad = rows_pt * NS

    e_blk = NW * CH
    nblk = -(-e // e_blk)
    e_pad = nblk * e_blk

    src = edge_index[0]
    dst = edge_index[1]
    if e_pad != e:
        npad_fill = jnp.arange(e_pad - e, dtype=jnp.int32)
        src = jnp.concatenate([src, npad_fill % n])
        dst = jnp.concatenate([dst, n + npad_fill % (n_pad - n)])
    src_r = src.reshape(NW, nblk, CH)
    dst_r = dst.reshape(NW, nblk, CH)

    degp = _make_deg(n_pad, nblk)(dst_r).reshape(NC, n_pad)
    xw1 = _tc_mm(x, W1)
    d0 = degp[0][:n, None]
    d1 = degp[1][:n, None]
    dinv, hp1 = _tc_scale(d0, d1, xw1)

    agg = _make_agg(n_pad, hid, nblk)
    p = agg(src_r, dst_r, hp1)
    h, hh = _tc_layer1(p, hp1, dinv, b1.reshape(1, hid))
    q = agg(src_r, dst_r, hh)
    out = _tc_layer2(q, hh, dinv, W2, b2.reshape(1, ncls))

    return (out, h)

# --- scband reference (transcript-rebuilt; emitter-appended) ---
"""Pipeline reference for scband-gcn-91319594648115 (READ-ONLY COPY).

The authoritative reference and input builder live on the scoring server;
editing this copy changes nothing except your own understanding.
"""

import jax, jax.numpy as jnp
import numpy as np

N = 10000
E = 320000
F_IN = 128
HID = 16
NCLS = 40


def gcn_conv(x, edge_index, W, b):
    # Faithful PyG GCNConv: add self-loops, symmetric deg^{-1/2} normalization,
    # linear transform, scatter-add aggregation, bias.
    n = x.shape[0]
    src = edge_index[0]
    dst = edge_index[1]
    loop = jnp.arange(n, dtype=src.dtype)
    src = jnp.concatenate([src, loop])
    dst = jnp.concatenate([dst, loop])
    deg = jnp.zeros((n,), dtype=x.dtype).at[dst].add(1.0)
    dinv = jnp.where(deg > 0, 1.0 / jnp.sqrt(deg), 0.0)
    norm = dinv[src] * dinv[dst]
    h = x @ W
    msg = jnp.take(h, src, axis=0) * norm[:, None]
    out = jax.ops.segment_sum(msg, dst, num_segments=n)
    return out + b


def setup_inputs(seed: int = 0) -> dict:
    key = jax.random.key(seed)
    ks = jax.random.split(key, 6)
    x = jax.random.normal(ks[0], (N, F_IN), dtype=jnp.float32)
    edge_index = jax.random.randint(ks[1], (2, E), 0, N, dtype=jnp.int32)
    W1 = jax.random.normal(ks[2], (F_IN, HID), dtype=jnp.float32) * (1.0 / np.sqrt(F_IN))
    b1 = jnp.zeros((HID,), dtype=jnp.float32)
    W2 = jax.random.normal(ks[3], (HID, NCLS), dtype=jnp.float32) * (1.0 / np.sqrt(HID))
    b2 = jnp.zeros((NCLS,), dtype=jnp.float32)
    return {"x": x, "edge_index": edge_index, "W1": W1, "b1": b1, "W2": W2, "b2": b2}


def reference(x, edge_index, W1, b1, W2, b2):
    h = jax.nn.relu(gcn_conv(x, edge_index, W1, b1))
    # dropout p=0.5 with training=self.training; eval mode -> identity
    out = gcn_conv(h, edge_index, W2, b2)
    return (out, h)

if __name__ == "__main__":
    import jax
    _d = setup_inputs()
    print(jax.jit(kernel)(*tuple(_d.values())))

</pallas_src>

<mosaic_0001>
#map = affine_map<(d0, d1) -> (0, 0, 0)>
#map1 = affine_map<(d0, d1) -> (0)>
module attributes {stable_mosaic.version = 14 : i64} {
  func.func @deg(%arg0: i32, %arg1: i32, %arg2: memref<32x79x128xi32, #tpu.memory_space<hbm>>, %arg3: memref<20480xf32, #tpu.memory_space<hbm>>, %arg4: memref<79x128xi32, #tpu.memory_space<vmem>>, %arg5: memref<128xf32, #tpu.memory_space<vmem>>, %arg6: memref<640xf32, #tpu.memory_space<vmem>>, %arg7: memref<10240xf32, #tpu.memory_space<vmem_shared>>, %arg8: memref<!tpu.dma_semaphore, #tpu.memory_space<semaphore_mem>>) attributes {dimension_semantics = [#tpu.dimension_semantics<core_parallel>, #tpu.dimension_semantics<subcore_parallel>], iteration_bounds = array<i64: 2, 16>, scalar_prefetch = 0 : i64, scratch_operands = 5 : i64, tpu.core_type = #tpu.core_type<sc_vector_subcore>, window_params = [{transform_indices = #map}, {transform_indices = #map1}]} {
    %mul3A = arith.constant 2 : i32
    %mul3A_0 = arith.muli %arg1, %mul3A : i32
    %add3A = arith.addi %mul3A_0, %arg0 : i32
    %mul3A_1 = arith.constant 640 : i32
    %mul3A_2 = arith.muli %arg1, %mul3A_1 : i32
    %dma_start3A = arith.constant 0 : i32
    %dma_start3A_3 = arith.constant 0 : i32
    %dma_start3A_4 = tpu.memref_slice %arg2[%add3A, %dma_start3A, %dma_start3A_3] : memref<32x79x128xi32, #tpu.memory_space<hbm>> -> memref<1x79x128xi32, #tpu.memory_space<hbm>>
    %dma_start3A_5 = tpu.memref_squeeze %dma_start3A_4 : memref<1x79x128xi32, #tpu.memory_space<hbm>> -> memref<79x128xi32, #tpu.memory_space<hbm>>
    %dma_start3A_6 = arith.constant 0 : i32
    %dma_start3A_7 = arith.constant 0 : i32
    %dma_start3A_8 = tpu.memref_slice %arg2[%add3A, %dma_start3A_6, %dma_start3A_7] : memref<32x79x128xi32, #tpu.memory_space<hbm>> -> memref<1x79x128xi32, #tpu.memory_space<hbm>>
    %dma_start3A_9 = tpu.memref_squeeze %dma_start3A_8 : memref<1x79x128xi32, #tpu.memory_space<hbm>> -> memref<79x128xi32, #tpu.memory_space<hbm>>
    tpu.enqueue_dma source(%dma_start3A_9 : memref<79x128xi32, #tpu.memory_space<hbm>>) target(%arg4 : memref<79x128xi32, #tpu.memory_space<vmem>>) target_semaphore(%arg8 : memref<!tpu.dma_semaphore, #tpu.memory_space<semaphore_mem>>)
    %broadcast_in_dim3A = arith.constant 0.000000e+00 : f32
    %broadcast_in_dim3A_10 = vector.broadcast %broadcast_in_dim3A : f32 to vector<16xf32>
    %broadcast_in_dim3A_11 = arith.constant 1.000000e+00 : f32
    %broadcast_in_dim3A_12 = vector.broadcast %broadcast_in_dim3A_11 : f32 to vector<16xf32>
    %swap3A = arith.constant 0 : index
    %swap3A_13 = tpu.vector_load %arg5[%swap3A] {strides = array<i32>} : memref<128xf32, #tpu.memory_space<vmem>>, vector<16xf32>,
    %swap3A_14 = vector.shape_cast %swap3A_13 : vector<16xf32> to vector<16xf32>
    %swap3A_15 = vector.shape_cast %broadcast_in_dim3A_12 : vector<16xf32> to vector<16xf32>
    tpu.vector_store %arg5[%swap3A], %swap3A_15 {strides = array<i32>} : memref<128xf32, #tpu.memory_space<vmem>>, vector<16xf32>,
    %swap3A_16 = arith.constant 16 : index
    %swap3A_17 = tpu.vector_load %arg5[%swap3A_16] {strides = array<i32>} : memref<128xf32, #tpu.memory_space<vmem>>, vector<16xf32>,
    %swap3A_18 = vector.shape_cast %swap3A_17 : vector<16xf32> to vector<16xf32>
    %swap3A_19 = vector.shape_cast %broadcast_in_dim3A_12 : vector<16xf32> to vector<16xf32>
    tpu.vector_store %arg5[%swap3A_16], %swap3A_19 {strides = array<i32>} : memref<128xf32, #tpu.memory_space<vmem>>, vector<16xf32>,
    %swap3A_20 = arith.constant 32 : index
    %swap3A_21 = tpu.vector_load %arg5[%swap3A_20] {strides = array<i32>} : memref<128xf32, #tpu.memory_space<vmem>>, vector<16xf32>,
    %swap3A_22 = vector.shape_cast %swap3A_21 : vector<16xf32> to vector<16xf32>
    %swap3A_23 = vector.shape_cast %broadcast_in_dim3A_12 : vector<16xf32> to vector<16xf32>
    tpu.vector_store %arg5[%swap3A_20], %swap3A_23 {strides = array<i32>} : memref<128xf32, #tpu.memory_space<vmem>>, vector<16xf32>,
    %swap3A_24 = arith.constant 48 : index
    %swap3A_25 = tpu.vector_load %arg5[%swap3A_24] {strides = array<i32>} : memref<128xf32, #tpu.memory_space<vmem>>, vector<16xf32>,
    %swap3A_26 = vector.shape_cast %swap3A_25 : vector<16xf32> to vector<16xf32>
    %swap3A_27 = vector.shape_cast %broadcast_in_dim3A_12 : vector<16xf32> to vector<16xf32>
    tpu.vector_store %arg5[%swap3A_24], %swap3A_27 {strides = array<i32>} : memref<128xf32, #tpu.memory_space<vmem>>, vector<16xf32>,
    %swap3A_28 = arith.constant 64 : index
    %swap3A_29 = tpu.vector_load %arg5[%swap3A_28] {strides = array<i32>} : memref<128xf32, #tpu.memory_space<vmem>>, vector<16xf32>,
    %swap3A_30 = vector.shape_cast %swap3A_29 : vector<16xf32> to vector<16xf32>
    %swap3A_31 = vector.shape_cast %broadcast_in_dim3A_12 : vector<16xf32> to vector<16xf32>
    tpu.vector_store %arg5[%swap3A_28], %swap3A_31 {strides = array<i32>} : memref<128xf32, #tpu.memory_space<vmem>>, vector<16xf32>,
    %swap3A_32 = arith.constant 80 : index
    %swap3A_33 = tpu.vector_load %arg5[%swap3A_32] {strides = array<i32>} : memref<128xf32, #tpu.memory_space<vmem>>, vector<16xf32>,
    %swap3A_34 = vector.shape_cast %swap3A_33 : vector<16xf32> to vector<16xf32>
    %swap3A_35 = vector.shape_cast %broadcast_in_dim3A_12 : vector<16xf32> to vector<16xf32>
    tpu.vector_store %arg5[%swap3A_32], %swap3A_35 {strides = array<i32>} : memref<128xf32, #tpu.memory_space<vmem>>, vector<16xf32>,
    %swap3A_36 = arith.constant 96 : index
    %swap3A_37 = tpu.vector_load %arg5[%swap3A_36] {strides = array<i32>} : memref<128xf32, #tpu.memory_space<vmem>>, vector<16xf32>,
    %swap3A_38 = vector.shape_cast %swap3A_37 : vector<16xf32> to vector<16xf32>
    %swap3A_39 = vector.shape_cast %broadcast_in_dim3A_12 : vector<16xf32> to vector<16xf32>
    tpu.vector_store %arg5[%swap3A_36], %swap3A_39 {strides = array<i32>} : memref<128xf32, #tpu.memory_space<vmem>>, vector<16xf32>,
    %swap3A_40 = arith.constant 112 : index
    %swap3A_41 = tpu.vector_load %arg5[%swap3A_40] {strides = array<i32>} : memref<128xf32, #tpu.memory_space<vmem>>, vector<16xf32>,
    %swap3A_42 = vector.shape_cast %swap3A_41 : vector<16xf32> to vector<16xf32>
    %swap3A_43 = vector.shape_cast %broadcast_in_dim3A_12 : vector<16xf32> to vector<16xf32>
    tpu.vector_store %arg5[%swap3A_40], %swap3A_43 {strides = array<i32>} : memref<128xf32, #tpu.memory_space<vmem>>, vector<16xf32>,
    %scan3A = arith.constant 0 : i32
    %scan3A_44 = arith.constant 0 : i32
    %scan3A_45 = arith.constant 40 : i32
    %scan3A_46 = arith.addi %scan3A_44, %scan3A_45 : i32
    %scan3A_47 = arith.constant 1 : i32
    scf.for %scan3A_72 = %scan3A_44 to %scan3A_46 step %scan3A_47  : i32 {
      %mul3A_73 = arith.constant 16 : i32
      %mul3A_74 = arith.muli %scan3A_72, %mul3A_73 : i32
      %swap3A_75 = arith.index_cast %mul3A_74 : i32 to index
      %swap3A_76 = tpu.vector_load %arg6[%swap3A_75] {strides = array<i32>} : memref<640xf32, #tpu.memory_space<vmem>>, vector<16xf32>,
      %swap3A_77 = vector.shape_cast %swap3A_76 : vector<16xf32> to vector<16xf32>
      %swap3A_78 = vector.shape_cast %broadcast_in_dim3A_10 : vector<16xf32> to vector<16xf32>
      tpu.vector_store %arg6[%swap3A_75], %swap3A_78 {strides = array<i32>} : memref<640xf32, #tpu.memory_space<vmem>>, vector<16xf32>,
    }
    %scan3A_48 = arith.constant 40 : i32
    "tpu.region"() ({
      %run_scoped3A = tpu.sem_alloc : memref<!tpu.dma_semaphore, #tpu.memory_space<semaphore_mem>>
      %dma_start3A_72 = tpu.memref_slice %arg7[%mul3A_2] : memref<10240xf32, #tpu.memory_space<vmem_shared>> -> memref<640xf32, #tpu.memory_space<vmem_shared>>
      %dma_start3A_73 = tpu.memref_slice %arg7[%mul3A_2] : memref<10240xf32, #tpu.memory_space<vmem_shared>> -> memref<640xf32, #tpu.memory_space<vmem_shared>>
      tpu.enqueue_dma source(%arg6 : memref<640xf32, #tpu.memory_space<vmem>>) target(%dma_start3A_73 : memref<640xf32, #tpu.memory_space<vmem_shared>>) target_semaphore(%run_scoped3A : memref<!tpu.dma_semaphore, #tpu.memory_space<semaphore_mem>>)
      %dma_wait3A_74 = tpu.memref_slice %arg7[%mul3A_2] : memref<10240xf32, #tpu.memory_space<vmem_shared>> -> memref<640xf32, #tpu.memory_space<vmem_shared>>
      %dma_wait3A_75 = tpu.memref_slice %arg7[%mul3A_2] : memref<10240xf32, #tpu.memory_space<vmem_shared>> -> memref<640xf32, #tpu.memory_space<vmem_shared>>
      tpu.wait_dma2 semaphore(%run_scoped3A : memref<!tpu.dma_semaphore, #tpu.memory_space<semaphore_mem>>) src(%arg6 : memref<640xf32, #tpu.memory_space<vmem>>) dst(%dma_wait3A_75 : memref<640xf32, #tpu.memory_space<vmem_shared>>)
      tpu.yield
    }) : () -> ()
    %barrier3A = arith.constant 0 : index
    tpu.barrier barrier_id(%barrier3A)
    %dma_wait3A = arith.constant 0 : i32
    %dma_wait3A_49 = arith.constant 0 : i32
    %dma_wait3A_50 = tpu.memref_slice %arg2[%add3A, %dma_wait3A, %dma_wait3A_49] : memref<32x79x128xi32, #tpu.memory_space<hbm>> -> memref<1x79x128xi32, #tpu.memory_space<hbm>>
    %dma_wait3A_51 = tpu.memref_squeeze %dma_wait3A_50 : memref<1x79x128xi32, #tpu.memory_space<hbm>> -> memref<79x128xi32, #tpu.memory_space<hbm>>
    %dma_wait3A_52 = arith.constant 0 : i32
    %dma_wait3A_53 = arith.constant 0 : i32
    %dma_wait3A_54 = tpu.memref_slice %arg2[%add3A, %dma_wait3A_52, %dma_wait3A_53] : memref<32x79x128xi32, #tpu.memory_space<hbm>> -> memref<1x79x128xi32, #tpu.memory_space<hbm>>
    %dma_wait3A_55 = tpu.memref_squeeze %dma_wait3A_54 : memref<1x79x128xi32, #tpu.memory_space<hbm>> -> memref<79x128xi32, #tpu.memory_space<hbm>>
    tpu.wait_dma2 semaphore(%arg8 : memref<!tpu.dma_semaphore, #tpu.memory_space<semaphore_mem>>) src(%dma_wait3A_55 : memref<79x128xi32, #tpu.memory_space<hbm>>) dst(%arg4 : memref<79x128xi32, #tpu.memory_space<vmem>>)
    %scan3A_56 = arith.constant 0 : i32
    %scan3A_57 = arith.constant 0 : i32
    %scan3A_58 = arith.constant 79 : i32
    %scan3A_59 = arith.addi %scan3A_57, %scan3A_58 : i32
    %scan3A_60 = arith.constant 1 : i32
    scf.for %scan3A_72 = %scan3A_57 to %scan3A_59 step %scan3A_60  : i32 {
      %dma_start3A_73 = arith.constant 0 : i32
      %dma_start3A_74 = tpu.memref_slice %arg4[%scan3A_72, %dma_start3A_73] : memref<79x128xi32, #tpu.memory_space<vmem>> -> memref<1x128xi32, #tpu.memory_space<vmem>>
      %dma_start3A_75 = tpu.memref_squeeze %dma_start3A_74 : memref<1x128xi32, #tpu.memory_space<vmem>> -> memref<128xi32, #tpu.memory_space<vmem>>
      %dma_start3A_76 = arith.constant 0 : i32
      %dma_start3A_77 = tpu.memref_slice %arg7[%dma_start3A_76] : memref<10240xf32, #tpu.memory_space<vmem_shared>> -> memref<10240xf32, #tpu.memory_space<vmem_shared>>
      tpu.enqueue_indirect_dma source(%arg5 : memref<128xf32, #tpu.memory_space<vmem>>) target(%dma_start3A_77 : memref<10240xf32, #tpu.memory_space<vmem_shared>>) offsets(%dma_start3A_75 : memref<128xi32, #tpu.memory_space<vmem>>) semaphore(%arg8 : memref<!tpu.dma_semaphore, #tpu.memory_space<semaphore_mem>>) {add = true}
    }
    %scan3A_61 = arith.constant 79 : i32
    %scan3A_62 = arith.constant 0 : i32
    %scan3A_63 = arith.constant 0 : i32
    %scan3A_64 = arith.constant 79 : i32
    %scan3A_65 = arith.addi %scan3A_63, %scan3A_64 : i32
    %scan3A_66 = arith.constant 1 : i32
    scf.for %scan3A_72 = %scan3A_63 to %scan3A_65 step %scan3A_66  : i32 {
      %dma_wait3A_73 = arith.constant 0 : i32
      %dma_wait3A_74 = tpu.memref_slice %arg4[%scan3A_72, %dma_wait3A_73] : memref<79x128xi32, #tpu.memory_space<vmem>> -> memref<1x128xi32, #tpu.memory_space<vmem>>
      %dma_wait3A_75 = tpu.memref_squeeze %dma_wait3A_74 : memref<1x128xi32, #tpu.memory_space<vmem>> -> memref<128xi32, #tpu.memory_space<vmem>>
      %dma_wait3A_76 = arith.constant 0 : i32
      %dma_wait3A_77 = tpu.memref_slice %arg7[%dma_wait3A_76] : memref<10240xf32, #tpu.memory_space<vmem_shared>> -> memref<10240xf32, #tpu.memory_space<vmem_shared>>
      tpu.wait_indirect_dma semaphore(%arg8 : memref<!tpu.dma_semaphore, #tpu.memory_space<semaphore_mem>>) src(%arg5 : memref<128xf32, #tpu.memory_space<vmem>>) dst(%dma_wait3A_77 : memref<10240xf32, #tpu.memory_space<vmem_shared>>)
    }
    %scan3A_67 = arith.constant 79 : i32
    %barrier3A_68 = arith.constant 0 : index
    tpu.barrier barrier_id(%barrier3A_68)
    %mul3A_69 = arith.constant 10240 : i32
    %mul3A_70 = arith.muli %arg0, %mul3A_69 : i32
    %add3A_71 = arith.addi %mul3A_70, %mul3A_2 : i32
    "tpu.region"() ({
      %run_scoped3A = tpu.sem_alloc : memref<!tpu.dma_semaphore, #tpu.memory_space<semaphore_mem>>
      %dma_start3A_72 = tpu.memref_slice %arg3[%add3A_71] : memref<20480xf32, #tpu.memory_space<hbm>> -> memref<640xf32, #tpu.memory_space<hbm>>
      %dma_start3A_73 = tpu.memref_slice %arg7[%mul3A_2] : memref<10240xf32, #tpu.memory_space<vmem_shared>> -> memref<640xf32, #tpu.memory_space<vmem_shared>>
      tpu.enqueue_dma source(%dma_start3A_73 : memref<640xf32, #tpu.memory_space<vmem_shared>>) target(%dma_start3A_72 : memref<640xf32, #tpu.memory_space<hbm>>) target_semaphore(%run_scoped3A : memref<!tpu.dma_semaphore, #tpu.memory_space<semaphore_mem>>)
      %dma_wait3A_74 = tpu.memref_slice %arg3[%add3A_71] : memref<20480xf32, #tpu.memory_space<hbm>> -> memref<640xf32, #tpu.memory_space<hbm>>
      %dma_wait3A_75 = tpu.memref_slice %arg7[%mul3A_2] : memref<10240xf32, #tpu.memory_space<vmem_shared>> -> memref<640xf32, #tpu.memory_space<vmem_shared>>
      tpu.wait_dma2 semaphore(%run_scoped3A : memref<!tpu.dma_semaphore, #tpu.memory_space<semaphore_mem>>) src(%dma_wait3A_75 : memref<640xf32, #tpu.memory_space<vmem_shared>>) dst(%dma_wait3A_74 : memref<640xf32, #tpu.memory_space<hbm>>)
      tpu.yield
    }) : () -> ()
    return
  }
}

#map = affine_map<(d0, d1) -> (0, 0, 0)>
#map1 = affine_map<(d0, d1) -> (0, 0)>
module attributes {stable_mosaic.version = 14 : i64} {
  func.func @agg(%arg0: i32, %arg1: i32, %arg2: memref<32x79x128xi32, #tpu.memory_space<hbm>>, %arg3: memref<32x79x128xi32, #tpu.memory_space<hbm>>, %arg4: memref<10000x16xf32, #tpu.memory_space<hbm>>, %arg5: memref<2x10240x16xf32, #tpu.memory_space<hbm>>, %arg6: memref<79x128xi32, #tpu.memory_space<vmem>>, %arg7: memref<79x128xi32, #tpu.memory_space<vmem>>, %arg8: memref<128x16xf32, #tpu.memory_space<vmem>>, %arg9: memref<128x16xf32, #tpu.memory_space<vmem>>, %arg10: memref<128x16xf32, #tpu.memory_space<vmem>>, %arg11: memref<128x16xf32, #tpu.memory_space<vmem>>, %arg12: memref<640x16xf32, #tpu.memory_space<vmem>>, %arg13: memref<10240x16xf32, #tpu.memory_space<vmem_shared>>, %arg14: memref<!tpu.dma_semaphore, #tpu.memory_space<semaphore_mem>>, %arg15: memref<!tpu.dma_semaphore, #tpu.memory_space<semaphore_mem>>) attributes {dimension_semantics = [#tpu.dimension_semantics<core_parallel>, #tpu.dimension_semantics<subcore_parallel>], iteration_bounds = array<i64: 2, 16>, scalar_prefetch = 0 : i64, scratch_operands = 10 : i64, tpu.core_type = #tpu.core_type<sc_vector_subcore>, window_params = [{transform_indices = #map}, {transform_indices = #map}, {transform_indices = #map1}, {transform_indices = #map}]} {
    %mul3A = arith.constant 2 : i32
    %mul3A_0 = arith.muli %arg1, %mul3A : i32
    %add3A = arith.addi %mul3A_0, %arg0 : i32
    %mul3A_1 = arith.constant 640 : i32
    %mul3A_2 = arith.muli %arg1, %mul3A_1 : i32
    %dma_start3A = arith.constant 0 : i32
    %dma_start3A_3 = arith.constant 0 : i32
    %dma_start3A_4 = tpu.memref_slice %arg2[%add3A, %dma_start3A, %dma_start3A_3] : memref<32x79x128xi32, #tpu.memory_space<hbm>> -> memref<1x79x128xi32, #tpu.memory_space<hbm>>
    %dma_start3A_5 = tpu.memref_squeeze %dma_start3A_4 : memref<1x79x128xi32, #tpu.memory_space<hbm>> -> memref<79x128xi32, #tpu.memory_space<hbm>>
    %dma_start3A_6 = arith.constant 0 : i32
    %dma_start3A_7 = arith.constant 0 : i32
    %dma_start3A_8 = tpu.memref_slice %arg2[%add3A, %dma_start3A_6, %dma_start3A_7] : memref<32x79x128xi32, #tpu.memory_space<hbm>> -> memref<1x79x128xi32, #tpu.memory_space<hbm>>
    %dma_start3A_9 = tpu.memref_squeeze %dma_start3A_8 : memref<1x79x128xi32, #tpu.memory_space<hbm>> -> memref<79x128xi32, #tpu.memory_space<hbm>>
    tpu.enqueue_dma source(%dma_start3A_9 : memref<79x128xi32, #tpu.memory_space<hbm>>) target(%arg6 : memref<79x128xi32, #tpu.memory_space<vmem>>) target_semaphore(%arg14 : memref<!tpu.dma_semaphore, #tpu.memory_space<semaphore_mem>>)
    %dma_start3A_10 = arith.constant 0 : i32
    %dma_start3A_11 = arith.constant 0 : i32
    %dma_start3A_12 = tpu.memref_slice %arg3[%add3A, %dma_start3A_10, %dma_start3A_11] : memref<32x79x128xi32, #tpu.memory_space<hbm>> -> memref<1x79x128xi32, #tpu.memory_space<hbm>>
    %dma_start3A_13 = tpu.memref_squeeze %dma_start3A_12 : memref<1x79x128xi32, #tpu.memory_space<hbm>> -> memref<79x128xi32, #tpu.memory_space<hbm>>
    %dma_start3A_14 = arith.constant 0 : i32
    %dma_start3A_15 = arith.constant 0 : i32
    %dma_start3A_16 = tpu.memref_slice %arg3[%add3A, %dma_start3A_14, %dma_start3A_15] : memref<32x79x128xi32, #tpu.memory_space<hbm>> -> memref<1x79x128xi32, #tpu.memory_space<hbm>>
    %dma_start3A_17 = tpu.memref_squeeze %dma_start3A_16 : memref<1x79x128xi32, #tpu.memory_space<hbm>> -> memref<79x128xi32, #tpu.memory_space<hbm>>
    tpu.enqueue_dma source(%dma_start3A_17 : memref<79x128xi32, #tpu.memory_space<hbm>>) target(%arg7 : memref<79x128xi32, #tpu.memory_space<vmem>>) target_semaphore(%arg14 : memref<!tpu.dma_semaphore, #tpu.memory_space<semaphore_mem>>)
    %broadcast_in_dim3A = arith.constant 0.000000e+00 : f32
    %broadcast_in_dim3A_18 = vector.broadcast %broadcast_in_dim3A : f32 to vector<16xf32>
    %scan3A = arith.constant 0 : i32
    %scan3A_19 = arith.constant 0 : i32
    %scan3A_20 = arith.constant 640 : i32
    %scan3A_21 = arith.addi %scan3A_19, %scan3A_20 : i32
    %scan3A_22 = arith.constant 1 : i32
    scf.for %scan3A_158 = %scan3A_19 to %scan3A_21 step %scan3A_22  : i32 {
      %swap3A = arith.index_cast %scan3A_158 : i32 to index
      %swap3A_159 = arith.constant 0 : index
      %swap3A_160 = tpu.vector_load %arg12[%swap3A, %swap3A_159] {strides = array<i32>} : memref<640x16xf32, #tpu.memory_space<vmem>>, vector<1x16xf32>,
      %swap3A_161 = vector.shape_cast %swap3A_160 : vector<1x16xf32> to vector<16xf32>
      %swap3A_162 = vector.shape_cast %broadcast_in_dim3A_18 : vector<16xf32> to vector<1x16xf32>
      tpu.vector_store %arg12[%swap3A, %swap3A_159], %swap3A_162 {strides = array<i32>} : memref<640x16xf32, #tpu.memory_space<vmem>>, vector<1x16xf32>,
    }
    %scan3A_23 = arith.constant 640 : i32
    "tpu.region"() ({
      %run_scoped3A = tpu.sem_alloc : memref<!tpu.dma_semaphore, #tpu.memory_space<semaphore_mem>>
      %dma_start3A_158 = arith.constant 0 : i32
      %dma_start3A_159 = tpu.memref_slice %arg13[%mul3A_2, %dma_start3A_158] : memref<10240x16xf32, #tpu.memory_space<vmem_shared>> -> memref<640x16xf32, #tpu.memory_space<vmem_shared>>
      %dma_start3A_160 = arith.constant 0 : i32
      %dma_start3A_161 = tpu.memref_slice %arg13[%mul3A_2, %dma_start3A_160] : memref<10240x16xf32, #tpu.memory_space<vmem_shared>> -> memref<640x16xf32, #tpu.memory_space<vmem_shared>>
      tpu.enqueue_dma source(%arg12 : memref<640x16xf32, #tpu.memory_space<vmem>>) target(%dma_start3A_161 : memref<640x16xf32, #tpu.memory_space<vmem_shared>>) target_semaphore(%run_scoped3A : memref<!tpu.dma_semaphore, #tpu.memory_space<semaphore_mem>>)
      %dma_wait3A_162 = arith.constant 0 : i32
      %dma_wait3A_163 = tpu.memref_slice %arg13[%mul3A_2, %dma_wait3A_162] : memref<10240x16xf32, #tpu.memory_space<vmem_shared>> -> memref<640x16xf32, #tpu.memory_space<vmem_shared>>
      %dma_wait3A_164 = arith.constant 0 : i32
      %dma_wait3A_165 = tpu.memref_slice %arg13[%mul3A_2, %dma_wait3A_164] : memref<10240x16xf32, #tpu.memory_space<vmem_shared>> -> memref<640x16xf32, #tpu.memory_space<vmem_shared>>
      tpu.wait_dma2 semaphore(%run_scoped3A : memref<!tpu.dma_semaphore, #tpu.memory_space<semaphore_mem>>) src(%arg12 : memref<640x16xf32, #tpu.memory_space<vmem>>) dst(%dma_wait3A_165 : memref<640x16xf32, #tpu.memory_space<vmem_shared>>)
      tpu.yield
    }) : () -> ()
    %barrier3A = arith.constant 0 : index
    tpu.barrier barrier_id(%barrier3A)
    %dma_wait3A = arith.constant 0 : i32
    %dma_wait3A_24 = arith.constant 0 : i32
    %dma_wait3A_25 = tpu.memref_slice %arg2[%add3A, %dma_wait3A, %dma_wait3A_24] : memref<32x79x128xi32, #tpu.memory_space<hbm>> -> memref<1x79x128xi32, #tpu.memory_space<hbm>>
    %dma_wait3A_26 = tpu.memref_squeeze %dma_wait3A_25 : memref<1x79x128xi32, #tpu.memory_space<hbm>> -> memref<79x128xi32, #tpu.memory_space<hbm>>
    %dma_wait3A_27 = arith.constant 0 : i32
    %dma_wait3A_28 = arith.constant 0 : i32
    %dma_wait3A_29 = tpu.memref_slice %arg2[%add3A, %dma_wait3A_27, %dma_wait3A_28] : memref<32x79x128xi32, #tpu.memory_space<hbm>> -> memref<1x79x128xi32, #tpu.memory_space<hbm>>
    %dma_wait3A_30 = tpu.memref_squeeze %dma_wait3A_29 : memref<1x79x128xi32, #tpu.memory_space<hbm>> -> memref<79x128xi32, #tpu.memory_space<hbm>>
    tpu.wait_dma2 semaphore(%arg14 : memref<!tpu.dma_semaphore, #tpu.memory_space<semaphore_mem>>) src(%dma_wait3A_30 : memref<79x128xi32, #tpu.memory_space<hbm>>) dst(%arg6 : memref<79x128xi32, #tpu.memory_space<vmem>>)
    %dma_wait3A_31 = arith.constant 0 : i32
    %dma_wait3A_32 = arith.constant 0 : i32
    %dma_wait3A_33 = tpu.memref_slice %arg3[%add3A, %dma_wait3A_31, %dma_wait3A_32] : memref<32x79x128xi32, #tpu.memory_space<hbm>> -> memref<1x79x128xi32, #tpu.memory_space<hbm>>
    %dma_wait3A_34 = tpu.memref_squeeze %dma_wait3A_33 : memref<1x79x128xi32, #tpu.memory_space<hbm>> -> memref<79x128xi32, #tpu.memory_space<hbm>>
    %dma_wait3A_35 = arith.constant 0 : i32
    %dma_wait3A_36 = arith.constant 0 : i32
    %dma_wait3A_37 = tpu.memref_slice %arg3[%add3A, %dma_wait3A_35, %dma_wait3A_36] : memref<32x79x128xi32, #tpu.memory_space<hbm>> -> memref<1x79x128xi32, #tpu.memory_space<hbm>>
    %dma_wait3A_38 = tpu.memref_squeeze %dma_wait3A_37 : memref<1x79x128xi32, #tpu.memory_space<hbm>> -> memref<79x128xi32, #tpu.memory_space<hbm>>
    tpu.wait_dma2 semaphore(%arg14 : memref<!tpu.dma_semaphore, #tpu.memory_space<semaphore_mem>>) src(%dma_wait3A_38 : memref<79x128xi32, #tpu.memory_space<hbm>>) dst(%arg7 : memref<79x128xi32, #tpu.memory_space<vmem>>)
    %scan3A_39 = arith.constant 0 : i32
    %scan3A_40 = arith.constant 0 : i32
    %scan3A_41 = arith.constant 19 : i32
    %scan3A_42 = arith.addi %scan3A_40, %scan3A_41 : i32
    %scan3A_43 = arith.constant 1 : i32
    scf.for %scan3A_158 = %scan3A_40 to %scan3A_42 step %scan3A_43  : i32 {
      %mul3A_159 = arith.constant 4 : i32
      %mul3A_160 = arith.muli %scan3A_158, %mul3A_159 : i32
      %add3A_161 = arith.constant 0 : i32
      %add3A_162 = arith.addi %mul3A_160, %add3A_161 : i32
      %ge3A = arith.constant 4 : i32
      %ge3A_163 = arith.cmpi sge, %add3A_162, %ge3A : i32
      %convert_element_type3A = arith.extui %ge3A_163 : i1 to i32
      %cond3A = arith.constant 0 : i32
      %cond3A_164 = arith.cmpi ne, %convert_element_type3A, %cond3A : i32
      scf.if %cond3A_164 {
        %sub3A = arith.constant 4 : i32
        %sub3A_264 = arith.subi %add3A_162, %sub3A : i32
        %dma_wait3A_265 = arith.constant 0 : i32
        %dma_wait3A_266 = tpu.memref_slice %arg7[%sub3A_264, %dma_wait3A_265] : memref<79x128xi32, #tpu.memory_space<vmem>> -> memref<1x128xi32, #tpu.memory_space<vmem>>
        %dma_wait3A_267 = tpu.memref_squeeze %dma_wait3A_266 : memref<1x128xi32, #tpu.memory_space<vmem>> -> memref<128xi32, #tpu.memory_space<vmem>>
        %dma_wait3A_268 = arith.constant 0 : i32
        %dma_wait3A_269 = arith.constant 0 : i32
        %dma_wait3A_270 = tpu.memref_slice %arg13[%dma_wait3A_268, %dma_wait3A_269] : memref<10240x16xf32, #tpu.memory_space<vmem_shared>> -> memref<10240x16xf32, #tpu.memory_space<vmem_shared>>
        tpu.wait_indirect_dma semaphore(%arg15 : memref<!tpu.dma_semaphore, #tpu.memory_space<semaphore_mem>>) src(%arg8 : memref<128x16xf32, #tpu.memory_space<vmem>>) dst(%dma_wait3A_270 : memref<10240x16xf32, #tpu.memory_space<vmem_shared>>)
      } else {
      }
      %dma_start3A_165 = arith.constant 0 : i32
      %dma_start3A_166 = tpu.memref_slice %arg6[%add3A_162, %dma_start3A_165] : memref<79x128xi32, #tpu.memory_space<vmem>> -> memref<1x128xi32, #tpu.memory_space<vmem>>
      %dma_start3A_167 = tpu.memref_squeeze %dma_start3A_166 : memref<1x128xi32, #tpu.memory_space<vmem>> -> memref<128xi32, #tpu.memory_space<vmem>>
      %dma_start3A_168 = arith.constant 0 : i32
      %dma_start3A_169 = arith.constant 0 : i32
      %dma_start3A_170 = tpu.memref_slice %arg4[%dma_start3A_168, %dma_start3A_169] : memref<10000x16xf32, #tpu.memory_space<hbm>> -> memref<10000x16xf32, #tpu.memory_space<hbm>>
      tpu.enqueue_indirect_dma source(%dma_start3A_170 : memref<10000x16xf32, #tpu.memory_space<hbm>>) target(%arg8 : memref<128x16xf32, #tpu.memory_space<vmem>>) offsets(%dma_start3A_167 : memref<128xi32, #tpu.memory_space<vmem>>) semaphore(%arg14 : memref<!tpu.dma_semaphore, #tpu.memory_space<semaphore_mem>>)
      %dma_wait3A_171 = arith.constant 0 : i32
      %dma_wait3A_172 = tpu.memref_slice %arg6[%add3A_162, %dma_wait3A_171] : memref<79x128xi32, #tpu.memory_space<vmem>> -> memref<1x128xi32, #tpu.memory_space<vmem>>
      %dma_wait3A_173 = tpu.memref_squeeze %dma_wait3A_172 : memref<1x128xi32, #tpu.memory_space<vmem>> -> memref<128xi32, #tpu.memory_space<vmem>>
      %dma_wait3A_174 = arith.constant 0 : i32
      %dma_wait3A_175 = arith.constant 0 : i32
      %dma_wait3A_176 = tpu.memref_slice %arg4[%dma_wait3A_174, %dma_wait3A_175] : memref<10000x16xf32, #tpu.memory_space<hbm>> -> memref<10000x16xf32, #tpu.memory_space<hbm>>
      tpu.wait_indirect_dma semaphore(%arg14 : memref<!tpu.dma_semaphore, #tpu.memory_space<semaphore_mem>>) src(%dma_wait3A_176 : memref<10000x16xf32, #tpu.memory_space<hbm>>) dst(%arg8 : memref<128x16xf32, #tpu.memory_space<vmem>>)
      %dma_start3A_177 = arith.constant 0 : i32
      %dma_start3A_178 = tpu.memref_slice %arg7[%add3A_162, %dma_start3A_177] : memref<79x128xi32, #tpu.memory_space<vmem>> -> memref<1x128xi32, #tpu.memory_space<vmem>>
      %dma_start3A_179 = tpu.memref_squeeze %dma_start3A_178 : memref<1x128xi32, #tpu.memory_space<vmem>> -> memref<128xi32, #tpu.memory_space<vmem>>
      %dma_start3A_180 = arith.constant 0 : i32
      %dma_start3A_181 = arith.constant 0 : i32
      %dma_start3A_182 = tpu.memref_slice %arg13[%dma_start3A_180, %dma_start3A_181] : memref<10240x16xf32, #tpu.memory_space<vmem_shared>> -> memref<10240x16xf32, #tpu.memory_space<vmem_shared>>
      tpu.enqueue_indirect_dma source(%arg8 : memref<128x16xf32, #tpu.memory_space<vmem>>) target(%dma_start3A_182 : memref<10240x16xf32, #tpu.memory_space<vmem_shared>>) offsets(%dma_start3A_179 : memref<128xi32, #tpu.memory_space<vmem>>) semaphore(%arg15 : memref<!tpu.dma_semaphore, #tpu.memory_space<semaphore_mem>>) {add = true}
      %mul3A_183 = arith.constant 4 : i32
      %mul3A_184 = arith.muli %scan3A_158, %mul3A_183 : i32
      %add3A_185 = arith.constant 1 : i32
      %add3A_186 = arith.addi %mul3A_184, %add3A_185 : i32
      %ge3A_187 = arith.constant 4 : i32
      %ge3A_188 = arith.cmpi sge, %add3A_186, %ge3A_187 : i32
      %convert_element_type3A_189 = arith.extui %ge3A_188 : i1 to i32
      %cond3A_190 = arith.constant 0 : i32
      %cond3A_191 = arith.cmpi ne, %convert_element_type3A_189, %cond3A_190 : i32
      scf.if %cond3A_191 {
        %sub3A = arith.constant 4 : i32
        %sub3A_264 = arith.subi %add3A_186, %sub3A : i32
        %dma_wait3A_265 = arith.constant 0 : i32
        %dma_wait3A_266 = tpu.memref_slice %arg7[%sub3A_264, %dma_wait3A_265] : memref<79x128xi32, #tpu.memory_space<vmem>> -> memref<1x128xi32, #tpu.memory_space<vmem>>
        %dma_wait3A_267 = tpu.memref_squeeze %dma_wait3A_266 : memref<1x128xi32, #tpu.memory_space<vmem>> -> memref<128xi32, #tpu.memory_space<vmem>>
        %dma_wait3A_268 = arith.constant 0 : i32
        %dma_wait3A_269 = arith.constant 0 : i32
        %dma_wait3A_270 = tpu.memref_slice %arg13[%dma_wait3A_268, %dma_wait3A_269] : memref<10240x16xf32, #tpu.memory_space<vmem_shared>> -> memref<10240x16xf32, #tpu.memory_space<vmem_shared>>
        tpu.wait_indirect_dma semaphore(%arg15 : memref<!tpu.dma_semaphore, #tpu.memory_space<semaphore_mem>>) src(%arg9 : memref<128x16xf32, #tpu.memory_space<vmem>>) dst(%dma_wait3A_270 : memref<10240x16xf32, #tpu.memory_space<vmem_shared>>)
      } else {
      }
      %dma_start3A_192 = arith.constant 0 : i32
      %dma_start3A_193 = tpu.memref_slice %arg6[%add3A_186, %dma_start3A_192] : memref<79x128xi32, #tpu.memory_space<vmem>> -> memref<1x128xi32, #tpu.memory_space<vmem>>
      %dma_start3A_194 = tpu.memref_squeeze %dma_start3A_193 : memref<1x128xi32, #tpu.memory_space<vmem>> -> memref<128xi32, #tpu.memory_space<vmem>>
      %dma_start3A_195 = arith.constant 0 : i32
      %dma_start3A_196 = arith.constant 0 : i32
      %dma_start3A_197 = tpu.memref_slice %arg4[%dma_start3A_195, %dma_start3A_196] : memref<10000x16xf32, #tpu.memory_space<hbm>> -> memref<10000x16xf32, #tpu.memory_space<hbm>>
      tpu.enqueue_indirect_dma source(%dma_start3A_197 : memref<10000x16xf32, #tpu.memory_space<hbm>>) target(%arg9 : memref<128x16xf32, #tpu.memory_space<vmem>>) offsets(%dma_start3A_194 : memref<128xi32, #tpu.memory_space<vmem>>) semaphore(%arg14 : memref<!tpu.dma_semaphore, #tpu.memory_space<semaphore_mem>>)
      %dma_wait3A_198 = arith.constant 0 : i32
      %dma_wait3A_199 = tpu.memref_slice %arg6[%add3A_186, %dma_wait3A_198] : memref<79x128xi32, #tpu.memory_space<vmem>> -> memref<1x128xi32, #tpu.memory_space<vmem>>
      %dma_wait3A_200 = tpu.memref_squeeze %dma_wait3A_199 : memref<1x128xi32, #tpu.memory_space<vmem>> -> memref<128xi32, #tpu.memory_space<vmem>>
      %dma_wait3A_201 = arith.constant 0 : i32
      %dma_wait3A_202 = arith.constant 0 : i32
      %dma_wait3A_203 = tpu.memref_slice %arg4[%dma_wait3A_201, %dma_wait3A_202] : memref<10000x16xf32, #tpu.memory_space<hbm>> -> memref<10000x16xf32, #tpu.memory_space<hbm>>
      tpu.wait_indirect_dma semaphore(%arg14 : memref<!tpu.dma_semaphore, #tpu.memory_space<semaphore_mem>>) src(%dma_wait3A_203 : memref<10000x16xf32, #tpu.memory_space<hbm>>) dst(%arg9 : memref<128x16xf32, #tpu.memory_space<vmem>>)
      %dma_start3A_204 = arith.constant 0 : i32
      %dma_start3A_205 = tpu.memref_slice %arg7[%add3A_186, %dma_start3A_204] : memref<79x128xi32, #tpu.memory_space<vmem>> -> memref<1x128xi32, #tpu.memory_space<vmem>>
      %dma_start3A_206 = tpu.memref_squeeze %dma_start3A_205 : memref<1x128xi32, #tpu.memory_space<vmem>> -> memref<128xi32, #tpu.memory_space<vmem>>
      %dma_start3A_207 = arith.constant 0 : i32
      %dma_start3A_208 = arith.constant 0 : i32
      %dma_start3A_209 = tpu.memref_slice %arg13[%dma_start3A_207, %dma_start3A_208] : memref<10240x16xf32, #tpu.memory_space<vmem_shared>> -> memref<10240x16xf32, #tpu.memory_space<vmem_shared>>
      tpu.enqueue_indirect_dma source(%arg9 : memref<128x16xf32, #tpu.memory_space<vmem>>) target(%dma_start3A_209 : memref<10240x16xf32, #tpu.memory_space<vmem_shared>>) offsets(%dma_start3A_206 : memref<128xi32, #tpu.memory_space<vmem>>) semaphore(%arg15 : memref<!tpu.dma_semaphore, #tpu.memory_space<semaphore_mem>>) {add = true}
      %mul3A_210 = arith.constant 4 : i32
      %mul3A_211 = arith.muli %scan3A_158, %mul3A_210 : i32
      %add3A_212 = arith.constant 2 : i32
      %add3A_213 = arith.addi %mul3A_211, %add3A_212 : i32
      %ge3A_214 = arith.constant 4 : i32
      %ge3A_215 = arith.cmpi sge, %add3A_213, %ge3A_214 : i32
      %convert_element_type3A_216 = arith.extui %ge3A_215 : i1 to i32
      %cond3A_217 = arith.constant 0 : i32
      %cond3A_218 = arith.cmpi ne, %convert_element_type3A_216, %cond3A_217 : i32
      scf.if %cond3A_218 {
        %sub3A = arith.constant 4 : i32
        %sub3A_264 = arith.subi %add3A_213, %sub3A : i32
        %dma_wait3A_265 = arith.constant 0 : i32
        %dma_wait3A_266 = tpu.memref_slice %arg7[%sub3A_264, %dma_wait3A_265] : memref<79x128xi32, #tpu.memory_space<vmem>> -> memref<1x128xi32, #tpu.memory_space<vmem>>
        %dma_wait3A_267 = tpu.memref_squeeze %dma_wait3A_266 : memref<1x128xi32, #tpu.memory_space<vmem>> -> memref<128xi32, #tpu.memory_space<vmem>>
        %dma_wait3A_268 = arith.constant 0 : i32
        %dma_wait3A_269 = arith.constant 0 : i32
        %dma_wait3A_270 = tpu.memref_slice %arg13[%dma_wait3A_268, %dma_wait3A_269] : memref<10240x16xf32, #tpu.memory_space<vmem_shared>> -> memref<10240x16xf32, #tpu.memory_space<vmem_shared>>
        tpu.wait_indirect_dma semaphore(%arg15 : memref<!tpu.dma_semaphore, #tpu.memory_space<semaphore_mem>>) src(%arg10 : memref<128x16xf32, #tpu.memory_space<vmem>>) dst(%dma_wait3A_270 : memref<10240x16xf32, #tpu.memory_space<vmem_shared>>)
      } else {
      }
      %dma_start3A_219 = arith.constant 0 : i32
      %dma_start3A_220 = tpu.memref_slice %arg6[%add3A_213, %dma_start3A_219] : memref<79x128xi32, #tpu.memory_space<vmem>> -> memref<1x128xi32, #tpu.memory_space<vmem>>
      %dma_start3A_221 = tpu.memref_squeeze %dma_start3A_220 : memref<1x128xi32, #tpu.memory_space<vmem>> -> memref<128xi32, #tpu.memory_space<vmem>>
      %dma_start3A_222 = arith.constant 0 : i32
      %dma_start3A_223 = arith.constant 0 : i32
      %dma_start3A_224 = tpu.memref_slice %arg4[%dma_start3A_222, %dma_start3A_223] : memref<10000x16xf32, #tpu.memory_space<hbm>> -> memref<10000x16xf32, #tpu.memory_space<hbm>>
      tpu.enqueue_indirect_dma source(%dma_start3A_224 : memref<10000x16xf32, #tpu.memory_space<hbm>>) target(%arg10 : memref<128x16xf32, #tpu.memory_space<vmem>>) offsets(%dma_start3A_221 : memref<128xi32, #tpu.memory_space<vmem>>) semaphore(%arg14 : memref<!tpu.dma_semaphore, #tpu.memory_space<semaphore_mem>>)
      %dma_wait3A_225 = arith.constant 0 : i32
      %dma_wait3A_226 = tpu.memref_slice %arg6[%add3A_213, %dma_wait3A_225] : memref<79x128xi32, #tpu.memory_space<vmem>> -> memref<1x128xi32, #tpu.memory_space<vmem>>
      %dma_wait3A_227 = tpu.memref_squeeze %dma_wait3A_226 : memref<1x128xi32, #tpu.memory_space<vmem>> -> memref<128xi32, #tpu.memory_space<vmem>>
      %dma_wait3A_228 = arith.constant 0 : i32
      %dma_wait3A_229 = arith.constant 0 : i32
      %dma_wait3A_230 = tpu.memref_slice %arg4[%dma_wait3A_228, %dma_wait3A_229] : memref<10000x16xf32, #tpu.memory_space<hbm>> -> memref<10000x16xf32, #tpu.memory_space<hbm>>
      tpu.wait_indirect_dma semaphore(%arg14 : memref<!tpu.dma_semaphore, #tpu.memory_space<semaphore_mem>>) src(%dma_wait3A_230 : memref<10000x16xf32, #tpu.memory_space<hbm>>) dst(%arg10 : memref<128x16xf32, #tpu.memory_space<vmem>>)
      %dma_start3A_231 = arith.constant 0 : i32
      %dma_start3A_232 = tpu.memref_slice %arg7[%add3A_213, %dma_start3A_231] : memref<79x128xi32, #tpu.memory_space<vmem>> -> memref<1x128xi32, #tpu.memory_space<vmem>>
      %dma_start3A_233 = tpu.memref_squeeze %dma_start3A_232 : memref<1x128xi32, #tpu.memory_space<vmem>> -> memref<128xi32, #tpu.memory_space<vmem>>
      %dma_start3A_234 = arith.constant 0 : i32
      %dma_start3A_235 = arith.constant 0 : i32
      %dma_start3A_236 = tpu.memref_slice %arg13[%dma_start3A_234, %dma_start3A_235] : memref<10240x16xf32, #tpu.memory_space<vmem_shared>> -> memref<10240x16xf32, #tpu.memory_space<vmem_shared>>
      tpu.enqueue_indirect_dma source(%arg10 : memref<128x16xf32, #tpu.memory_space<vmem>>) target(%dma_start3A_236 : memref<10240x16xf32, #tpu.memory_space<vmem_shared>>) offsets(%dma_start3A_233 : memref<128xi32, #tpu.memory_space<vmem>>) semaphore(%arg15 : memref<!tpu.dma_semaphore, #tpu.memory_space<semaphore_mem>>) {add = true}
      %mul3A_237 = arith.constant 4 : i32
      %mul3A_238 = arith.muli %scan3A_158, %mul3A_237 : i32
      %add3A_239 = arith.constant 3 : i32
      %add3A_240 = arith.addi %mul3A_238, %add3A_239 : i32
      %ge3A_241 = arith.constant 4 : i32
      %ge3A_242 = arith.cmpi sge, %add3A_240, %ge3A_241 : i32
      %convert_element_type3A_243 = arith.extui %ge3A_242 : i1 to i32
      %cond3A_244 = arith.constant 0 : i32
      %cond3A_245 = arith.cmpi ne, %convert_element_type3A_243, %cond3A_244 : i32
      scf.if %cond3A_245 {
        %sub3A = arith.constant 4 : i32
        %sub3A_264 = arith.subi %add3A_240, %sub3A : i32
        %dma_wait3A_265 = arith.constant 0 : i32
        %dma_wait3A_266 = tpu.memref_slice %arg7[%sub3A_264, %dma_wait3A_265] : memref<79x128xi32, #tpu.memory_space<vmem>> -> memref<1x128xi32, #tpu.memory_space<vmem>>
        %dma_wait3A_267 = tpu.memref_squeeze %dma_wait3A_266 : memref<1x128xi32, #tpu.memory_space<vmem>> -> memref<128xi32, #tpu.memory_space<vmem>>
        %dma_wait3A_268 = arith.constant 0 : i32
        %dma_wait3A_269 = arith.constant 0 : i32
        %dma_wait3A_270 = tpu.memref_slice %arg13[%dma_wait3A_268, %dma_wait3A_269] : memref<10240x16xf32, #tpu.memory_space<vmem_shared>> -> memref<10240x16xf32, #tpu.memory_space<vmem_shared>>
        tpu.wait_indirect_dma semaphore(%arg15 : memref<!tpu.dma_semaphore, #tpu.memory_space<semaphore_mem>>) src(%arg11 : memref<128x16xf32, #tpu.memory_space<vmem>>) dst(%dma_wait3A_270 : memref<10240x16xf32, #tpu.memory_space<vmem_shared>>)
      } else {
      }
      %dma_start3A_246 = arith.constant 0 : i32
      %dma_start3A_247 = tpu.memref_slice %arg6[%add3A_240, %dma_start3A_246] : memref<79x128xi32, #tpu.memory_space<vmem>> -> memref<1x128xi32, #tpu.memory_space<vmem>>
      %dma_start3A_248 = tpu.memref_squeeze %dma_start3A_247 : memref<1x128xi32, #tpu.memory_space<vmem>> -> memref<128xi32, #tpu.memory_space<vmem>>
      %dma_start3A_249 = arith.constant 0 : i32
      %dma_start3A_250 = arith.constant 0 : i32
      %dma_start3A_251 = tpu.memref_slice %arg4[%dma_start3A_249, %dma_start3A_250] : memref<10000x16xf32, #tpu.memory_space<hbm>> -> memref<10000x16xf32, #tpu.memory_space<hbm>>
      tpu.enqueue_indirect_dma source(%dma_start3A_251 : memref<10000x16xf32, #tpu.memory_space<hbm>>) target(%arg11 : memref<128x16xf32, #tpu.memory_space<vmem>>) offsets(%dma_start3A_248 : memref<128xi32, #tpu.memory_space<vmem>>) semaphore(%arg14 : memref<!tpu.dma_semaphore, #tpu.memory_space<semaphore_mem>>)
      %dma_wait3A_252 = arith.constant 0 : i32
      %dma_wait3A_253 = tpu.memref_slice %arg6[%add3A_240, %dma_wait3A_252] : memref<79x128xi32, #tpu.memory_space<vmem>> -> memref<1x128xi32, #tpu.memory_space<vmem>>
      %dma_wait3A_254 = tpu.memref_squeeze %dma_wait3A_253 : memref<1x128xi32, #tpu.memory_space<vmem>> -> memref<128xi32, #tpu.memory_space<vmem>>
      %dma_wait3A_255 = arith.constant 0 : i32
      %dma_wait3A_256 = arith.constant 0 : i32
      %dma_wait3A_257 = tpu.memref_slice %arg4[%dma_wait3A_255, %dma_wait3A_256] : memref<10000x16xf32, #tpu.memory_space<hbm>> -> memref<10000x16xf32, #tpu.memory_space<hbm>>
      tpu.wait_indirect_dma semaphore(%arg14 : memref<!tpu.dma_semaphore, #tpu.memory_space<semaphore_mem>>) src(%dma_wait3A_257 : memref<10000x16xf32, #tpu.memory_space<hbm>>) dst(%arg11 : memref<128x16xf32, #tpu.memory_space<vmem>>)
      %dma_start3A_258 = arith.constant 0 : i32
      %dma_start3A_259 = tpu.memref_slice %arg7[%add3A_240, %dma_start3A_258] : memref<79x128xi32, #tpu.memory_space<vmem>> -> memref<1x128xi32, #tpu.memory_space<vmem>>
      %dma_start3A_260 = tpu.memref_squeeze %dma_start3A_259 : memref<1x128xi32, #tpu.memory_space<vmem>> -> memref<128xi32, #tpu.memory_space<vmem>>
      %dma_start3A_261 = arith.constant 0 : i32
      %dma_start3A_262 = arith.constant 0 : i32
      %dma_start3A_263 = tpu.memref_slice %arg13[%dma_start3A_261, %dma_start3A_262] : memref<10240x16xf32, #tpu.memory_space<vmem_shared>> -> memref<10240x16xf32, #tpu.memory_space<vmem_shared>>
      tpu.enqueue_indirect_dma source(%arg11 : memref<128x16xf32, #tpu.memory_space<vmem>>) target(%dma_start3A_263 : memref<10240x16xf32, #tpu.memory_space<vmem_shared>>) offsets(%dma_start3A_260 : memref<128xi32, #tpu.memory_space<vmem>>) semaphore(%arg15 : memref<!tpu.dma_semaphore, #tpu.memory_space<semaphore_mem>>) {add = true}
    }
    %scan3A_44 = arith.constant 19 : i32
    %dma_wait3A_45 = arith.constant 72 : i32
    %dma_wait3A_46 = arith.constant 0 : i32
    %dma_wait3A_47 = tpu.memref_slice %arg7[%dma_wait3A_45, %dma_wait3A_46] : memref<79x128xi32, #tpu.memory_space<vmem>> -> memref<1x128xi32, #tpu.memory_space<vmem>>
    %dma_wait3A_48 = tpu.memref_squeeze %dma_wait3A_47 : memref<1x128xi32, #tpu.memory_space<vmem>> -> memref<128xi32, #tpu.memory_space<vmem>>
    %dma_wait3A_49 = arith.constant 0 : i32
    %dma_wait3A_50 = arith.constant 0 : i32
    %dma_wait3A_51 = tpu.memref_slice %arg13[%dma_wait3A_49, %dma_wait3A_50] : memref<10240x16xf32, #tpu.memory_space<vmem_shared>> -> memref<10240x16xf32, #tpu.memory_space<vmem_shared>>
    tpu.wait_indirect_dma semaphore(%arg15 : memref<!tpu.dma_semaphore, #tpu.memory_space<semaphore_mem>>) src(%arg8 : memref<128x16xf32, #tpu.memory_space<vmem>>) dst(%dma_wait3A_51 : memref<10240x16xf32, #tpu.memory_space<vmem_shared>>)
    %dma_start3A_52 = arith.constant 76 : i32
    %dma_start3A_53 = arith.constant 0 : i32
    %dma_start3A_54 = tpu.memref_slice %arg6[%dma_start3A_52, %dma_start3A_53] : memref<79x128xi32, #tpu.memory_space<vmem>> -> memref<1x128xi32, #tpu.memory_space<vmem>>
    %dma_start3A_55 = tpu.memref_squeeze %dma_start3A_54 : memref<1x128xi32, #tpu.memory_space<vmem>> -> memref<128xi32, #tpu.memory_space<vmem>>
    %dma_start3A_56 = arith.constant 0 : i32
    %dma_start3A_57 = arith.constant 0 : i32
    %dma_start3A_58 = tpu.memref_slice %arg4[%dma_start3A_56, %dma_start3A_57] : memref<10000x16xf32, #tpu.memory_space<hbm>> -> memref<10000x16xf32, #tpu.memory_space<hbm>>
    tpu.enqueue_indirect_dma source(%dma_start3A_58 : memref<10000x16xf32, #tpu.memory_space<hbm>>) target(%arg8 : memref<128x16xf32, #tpu.memory_space<vmem>>) offsets(%dma_start3A_55 : memref<128xi32, #tpu.memory_space<vmem>>) semaphore(%arg14 : memref<!tpu.dma_semaphore, #tpu.memory_space<semaphore_mem>>)
    %dma_wait3A_59 = arith.constant 76 : i32
    %dma_wait3A_60 = arith.constant 0 : i32
    %dma_wait3A_61 = tpu.memref_slice %arg6[%dma_wait3A_59, %dma_wait3A_60] : memref<79x128xi32, #tpu.memory_space<vmem>> -> memref<1x128xi32, #tpu.memory_space<vmem>>
    %dma_wait3A_62 = tpu.memref_squeeze %dma_wait3A_61 : memref<1x128xi32, #tpu.memory_space<vmem>> -> memref<128xi32, #tpu.memory_space<vmem>>
    %dma_wait3A_63 = arith.constant 0 : i32
    %dma_wait3A_64 = arith.constant 0 : i32
    %dma_wait3A_65 = tpu.memref_slice %arg4[%dma_wait3A_63, %dma_wait3A_64] : memref<10000x16xf32, #tpu.memory_space<hbm>> -> memref<10000x16xf32, #tpu.memory_space<hbm>>
    tpu.wait_indirect_dma semaphore(%arg14 : memref<!tpu.dma_semaphore, #tpu.memory_space<semaphore_mem>>) src(%dma_wait3A_65 : memref<10000x16xf32, #tpu.memory_space<hbm>>) dst(%arg8 : memref<128x16xf32, #tpu.memory_space<vmem>>)
    %dma_start3A_66 = arith.constant 76 : i32
    %dma_start3A_67 = arith.constant 0 : i32
    %dma_start3A_68 = tpu.memref_slice %arg7[%dma_start3A_66, %dma_start3A_67] : memref<79x128xi32, #tpu.memory_space<vmem>> -> memref<1x128xi32, #tpu.memory_space<vmem>>
    %dma_start3A_69 = tpu.memref_squeeze %dma_start3A_68 : memref<1x128xi32, #tpu.memory_space<vmem>> -> memref<128xi32, #tpu.memory_space<vmem>>
    %dma_start3A_70 = arith.constant 0 : i32
    %dma_start3A_71 = arith.constant 0 : i32
    %dma_start3A_72 = tpu.memref_slice %arg13[%dma_start3A_70, %dma_start3A_71] : memref<10240x16xf32, #tpu.memory_space<vmem_shared>> -> memref<10240x16xf32, #tpu.memory_space<vmem_shared>>
    tpu.enqueue_indirect_dma source(%arg8 : memref<128x16xf32, #tpu.memory_space<vmem>>) target(%dma_start3A_72 : memref<10240x16xf32, #tpu.memory_space<vmem_shared>>) offsets(%dma_start3A_69 : memref<128xi32, #tpu.memory_space<vmem>>) semaphore(%arg15 : memref<!tpu.dma_semaphore, #tpu.memory_space<semaphore_mem>>) {add = true}
    %dma_wait3A_73 = arith.constant 73 : i32
    %dma_wait3A_74 = arith.constant 0 : i32
    %dma_wait3A_75 = tpu.memref_slice %arg7[%dma_wait3A_73, %dma_wait3A_74] : memref<79x128xi32, #tpu.memory_space<vmem>> -> memref<1x128xi32, #tpu.memory_space<vmem>>
    %dma_wait3A_76 = tpu.memref_squeeze %dma_wait3A_75 : memref<1x128xi32, #tpu.memory_space<vmem>> -> memref<128xi32, #tpu.memory_space<vmem>>
    %dma_wait3A_77 = arith.constant 0 : i32
    %dma_wait3A_78 = arith.constant 0 : i32
    %dma_wait3A_79 = tpu.memref_slice %arg13[%dma_wait3A_77, %dma_wait3A_78] : memref<10240x16xf32, #tpu.memory_space<vmem_shared>> -> memref<10240x16xf32, #tpu.memory_space<vmem_shared>>
    tpu.wait_indirect_dma semaphore(%arg15 : memref<!tpu.dma_semaphore, #tpu.memory_space<semaphore_mem>>) src(%arg9 : memref<128x16xf32, #tpu.memory_space<vmem>>) dst(%dma_wait3A_79 : memref<10240x16xf32, #tpu.memory_space<vmem_shared>>)
    %dma_start3A_80 = arith.constant 77 : i32
    %dma_start3A_81 = arith.constant 0 : i32
    %dma_start3A_82 = tpu.memref_slice %arg6[%dma_start3A_80, %dma_start3A_81] : memref<79x128xi32, #tpu.memory_space<vmem>> -> memref<1x128xi32, #tpu.memory_space<vmem>>
    %dma_start3A_83 = tpu.memref_squeeze %dma_start3A_82 : memref<1x128xi32, #tpu.memory_space<vmem>> -> memref<128xi32, #tpu.memory_space<vmem>>
    %dma_start3A_84 = arith.constant 0 : i32
    %dma_start3A_85 = arith.constant 0 : i32
    %dma_start3A_86 = tpu.memref_slice %arg4[%dma_start3A_84, %dma_start3A_85] : memref<10000x16xf32, #tpu.memory_space<hbm>> -> memref<10000x16xf32, #tpu.memory_space<hbm>>
    tpu.enqueue_indirect_dma source(%dma_start3A_86 : memref<10000x16xf32, #tpu.memory_space<hbm>>) target(%arg9 : memref<128x16xf32, #tpu.memory_space<vmem>>) offsets(%dma_start3A_83 : memref<128xi32, #tpu.memory_space<vmem>>) semaphore(%arg14 : memref<!tpu.dma_semaphore, #tpu.memory_space<semaphore_mem>>)
    %dma_wait3A_87 = arith.constant 77 : i32
    %dma_wait3A_88 = arith.constant 0 : i32
    %dma_wait3A_89 = tpu.memref_slice %arg6[%dma_wait3A_87, %dma_wait3A_88] : memref<79x128xi32, #tpu.memory_space<vmem>> -> memref<1x128xi32, #tpu.memory_space<vmem>>
    %dma_wait3A_90 = tpu.memref_squeeze %dma_wait3A_89 : memref<1x128xi32, #tpu.memory_space<vmem>> -> memref<128xi32, #tpu.memory_space<vmem>>
    %dma_wait3A_91 = arith.constant 0 : i32
    %dma_wait3A_92 = arith.constant 0 : i32
    %dma_wait3A_93 = tpu.memref_slice %arg4[%dma_wait3A_91, %dma_wait3A_92] : memref<10000x16xf32, #tpu.memory_space<hbm>> -> memref<10000x16xf32, #tpu.memory_space<hbm>>
    tpu.wait_indirect_dma semaphore(%arg14 : memref<!tpu.dma_semaphore, #tpu.memory_space<semaphore_mem>>) src(%dma_wait3A_93 : memref<10000x16xf32, #tpu.memory_space<hbm>>) dst(%arg9 : memref<128x16xf32, #tpu.memory_space<vmem>>)
    %dma_start3A_94 = arith.constant 77 : i32
    %dma_start3A_95 = arith.constant 0 : i32
    %dma_start3A_96 = tpu.memref_slice %arg7[%dma_start3A_94, %dma_start3A_95] : memref<79x128xi32, #tpu.memory_space<vmem>> -> memref<1x128xi32, #tpu.memory_space<vmem>>
    %dma_start3A_97 = tpu.memref_squeeze %dma_start3A_96 : memref<1x128xi32, #tpu.memory_space<vmem>> -> memref<128xi32, #tpu.memory_space<vmem>>
    %dma_start3A_98 = arith.constant 0 : i32
    %dma_start3A_99 = arith.constant 0 : i32
    %dma_start3A_100 = tpu.memref_slice %arg13[%dma_start3A_98, %dma_start3A_99] : memref<10240x16xf32, #tpu.memory_space<vmem_shared>> -> memref<10240x16xf32, #tpu.memory_space<vmem_shared>>
    tpu.enqueue_indirect_dma source(%arg9 : memref<128x16xf32, #tpu.memory_space<vmem>>) target(%dma_start3A_100 : memref<10240x16xf32, #tpu.memory_space<vmem_shared>>) offsets(%dma_start3A_97 : memref<128xi32, #tpu.memory_space<vmem>>) semaphore(%arg15 : memref<!tpu.dma_semaphore, #tpu.memory_space<semaphore_mem>>) {add = true}
    %dma_wait3A_101 = arith.constant 74 : i32
    %dma_wait3A_102 = arith.constant 0 : i32
    %dma_wait3A_103 = tpu.memref_slice %arg7[%dma_wait3A_101, %dma_wait3A_102] : memref<79x128xi32, #tpu.memory_space<vmem>> -> memref<1x128xi32, #tpu.memory_space<vmem>>
    %dma_wait3A_104 = tpu.memref_squeeze %dma_wait3A_103 : memref<1x128xi32, #tpu.memory_space<vmem>> -> memref<128xi32, #tpu.memory_space<vmem>>
    %dma_wait3A_105 = arith.constant 0 : i32
    %dma_wait3A_106 = arith.constant 0 : i32
    %dma_wait3A_107 = tpu.memref_slice %arg13[%dma_wait3A_105, %dma_wait3A_106] : memref<10240x16xf32, #tpu.memory_space<vmem_shared>> -> memref<10240x16xf32, #tpu.memory_space<vmem_shared>>
    tpu.wait_indirect_dma semaphore(%arg15 : memref<!tpu.dma_semaphore, #tpu.memory_space<semaphore_mem>>) src(%arg10 : memref<128x16xf32, #tpu.memory_space<vmem>>) dst(%dma_wait3A_107 : memref<10240x16xf32, #tpu.memory_space<vmem_shared>>)
    %dma_start3A_108 = arith.constant 78 : i32
    %dma_start3A_109 = arith.constant 0 : i32
    %dma_start3A_110 = tpu.memref_slice %arg6[%dma_start3A_108, %dma_start3A_109] : memref<79x128xi32, #tpu.memory_space<vmem>> -> memref<1x128xi32, #tpu.memory_space<vmem>>
    %dma_start3A_111 = tpu.memref_squeeze %dma_start3A_110 : memref<1x128xi32, #tpu.memory_space<vmem>> -> memref<128xi32, #tpu.memory_space<vmem>>
    %dma_start3A_112 = arith.constant 0 : i32
    %dma_start3A_113 = arith.constant 0 : i32
    %dma_start3A_114 = tpu.memref_slice %arg4[%dma_start3A_112, %dma_start3A_113] : memref<10000x16xf32, #tpu.memory_space<hbm>> -> memref<10000x16xf32, #tpu.memory_space<hbm>>
    tpu.enqueue_indirect_dma source(%dma_start3A_114 : memref<10000x16xf32, #tpu.memory_space<hbm>>) target(%arg10 : memref<128x16xf32, #tpu.memory_space<vmem>>) offsets(%dma_start3A_111 : memref<128xi32, #tpu.memory_space<vmem>>) semaphore(%arg14 : memref<!tpu.dma_semaphore, #tpu.memory_space<semaphore_mem>>)
    %dma_wait3A_115 = arith.constant 78 : i32
    %dma_wait3A_116 = arith.constant 0 : i32
    %dma_wait3A_117 = tpu.memref_slice %arg6[%dma_wait3A_115, %dma_wait3A_116] : memref<79x128xi32, #tpu.memory_space<vmem>> -> memref<1x128xi32, #tpu.memory_space<vmem>>
    %dma_wait3A_118 = tpu.memref_squeeze %dma_wait3A_117 : memref<1x128xi32, #tpu.memory_space<vmem>> -> memref<128xi32, #tpu.memory_space<vmem>>
    %dma_wait3A_119 = arith.constant 0 : i32
    %dma_wait3A_120 = arith.constant 0 : i32
    %dma_wait3A_121 = tpu.memref_slice %arg4[%dma_wait3A_119, %dma_wait3A_120] : memref<10000x16xf32, #tpu.memory_space<hbm>> -> memref<10000x16xf32, #tpu.memory_space<hbm>>
    tpu.wait_indirect_dma semaphore(%arg14 : memref<!tpu.dma_semaphore, #tpu.memory_space<semaphore_mem>>) src(%dma_wait3A_121 : memref<10000x16xf32, #tpu.memory_space<hbm>>) dst(%arg10 : memref<128x16xf32, #tpu.memory_space<vmem>>)
    %dma_start3A_122 = arith.constant 78 : i32
    %dma_start3A_123 = arith.constant 0 : i32
    %dma_start3A_124 = tpu.memref_slice %arg7[%dma_start3A_122, %dma_start3A_123] : memref<79x128xi32, #tpu.memory_space<vmem>> -> memref<1x128xi32, #tpu.memory_space<vmem>>
    %dma_start3A_125 = tpu.memref_squeeze %dma_start3A_124 : memref<1x128xi32, #tpu.memory_space<vmem>> -> memref<128xi32, #tpu.memory_space<vmem>>
    %dma_start3A_126 = arith.constant 0 : i32
    %dma_start3A_127 = arith.constant 0 : i32
    %dma_start3A_128 = tpu.memref_slice %arg13[%dma_start3A_126, %dma_start3A_127] : memref<10240x16xf32, #tpu.memory_space<vmem_shared>> -> memref<10240x16xf32, #tpu.memory_space<vmem_shared>>
    tpu.enqueue_indirect_dma source(%arg10 : memref<128x16xf32, #tpu.memory_space<vmem>>) target(%dma_start3A_128 : memref<10240x16xf32, #tpu.memory_space<vmem_shared>>) offsets(%dma_start3A_125 : memref<128xi32, #tpu.memory_space<vmem>>) semaphore(%arg15 : memref<!tpu.dma_semaphore, #tpu.memory_space<semaphore_mem>>) {add = true}
    %dma_wait3A_129 = arith.constant 75 : i32
    %dma_wait3A_130 = arith.constant 0 : i32
    %dma_wait3A_131 = tpu.memref_slice %arg7[%dma_wait3A_129, %dma_wait3A_130] : memref<79x128xi32, #tpu.memory_space<vmem>> -> memref<1x128xi32, #tpu.memory_space<vmem>>
    %dma_wait3A_132 = tpu.memref_squeeze %dma_wait3A_131 : memref<1x128xi32, #tpu.memory_space<vmem>> -> memref<128xi32, #tpu.memory_space<vmem>>
    %dma_wait3A_133 = arith.constant 0 : i32
    %dma_wait3A_134 = arith.constant 0 : i32
    %dma_wait3A_135 = tpu.memref_slice %arg13[%dma_wait3A_133, %dma_wait3A_134] : memref<10240x16xf32, #tpu.memory_space<vmem_shared>> -> memref<10240x16xf32, #tpu.memory_space<vmem_shared>>
    tpu.wait_indirect_dma semaphore(%arg15 : memref<!tpu.dma_semaphore, #tpu.memory_space<semaphore_mem>>) src(%arg11 : memref<128x16xf32, #tpu.memory_space<vmem>>) dst(%dma_wait3A_135 : memref<10240x16xf32, #tpu.memory_space<vmem_shared>>)
    %dma_wait3A_136 = arith.constant 76 : i32
    %dma_wait3A_137 = arith.constant 0 : i32
    %dma_wait3A_138 = tpu.memref_slice %arg7[%dma_wait3A_136, %dma_wait3A_137] : memref<79x128xi32, #tpu.memory_space<vmem>> -> memref<1x128xi32, #tpu.memory_space<vmem>>
    %dma_wait3A_139 = tpu.memref_squeeze %dma_wait3A_138 : memref<1x128xi32, #tpu.memory_space<vmem>> -> memref<128xi32, #tpu.memory_space<vmem>>
    %dma_wait3A_140 = arith.constant 0 : i32
    %dma_wait3A_141 = arith.constant 0 : i32
    %dma_wait3A_142 = tpu.memref_slice %arg13[%dma_wait3A_140, %dma_wait3A_141] : memref<10240x16xf32, #tpu.memory_space<vmem_shared>> -> memref<10240x16xf32, #tpu.memory_space<vmem_shared>>
    tpu.wait_indirect_dma semaphore(%arg15 : memref<!tpu.dma_semaphore, #tpu.memory_space<semaphore_mem>>) src(%arg8 : memref<128x16xf32, #tpu.memory_space<vmem>>) dst(%dma_wait3A_142 : memref<10240x16xf32, #tpu.memory_space<vmem_shared>>)
    %dma_wait3A_143 = arith.constant 77 : i32
    %dma_wait3A_144 = arith.constant 0 : i32
    %dma_wait3A_145 = tpu.memref_slice %arg7[%dma_wait3A_143, %dma_wait3A_144] : memref<79x128xi32, #tpu.memory_space<vmem>> -> memref<1x128xi32, #tpu.memory_space<vmem>>
    %dma_wait3A_146 = tpu.memref_squeeze %dma_wait3A_145 : memref<1x128xi32, #tpu.memory_space<vmem>> -> memref<128xi32, #tpu.memory_space<vmem>>
    %dma_wait3A_147 = arith.constant 0 : i32
    %dma_wait3A_148 = arith.constant 0 : i32
    %dma_wait3A_149 = tpu.memref_slice %arg13[%dma_wait3A_147, %dma_wait3A_148] : memref<10240x16xf32, #tpu.memory_space<vmem_shared>> -> memref<10240x16xf32, #tpu.memory_space<vmem_shared>>
    tpu.wait_indirect_dma semaphore(%arg15 : memref<!tpu.dma_semaphore, #tpu.memory_space<semaphore_mem>>) src(%arg9 : memref<128x16xf32, #tpu.memory_space<vmem>>) dst(%dma_wait3A_149 : memref<10240x16xf32, #tpu.memory_space<vmem_shared>>)
    %dma_wait3A_150 = arith.constant 78 : i32
    %dma_wait3A_151 = arith.constant 0 : i32
    %dma_wait3A_152 = tpu.memref_slice %arg7[%dma_wait3A_150, %dma_wait3A_151] : memref<79x128xi32, #tpu.memory_space<vmem>> -> memref<1x128xi32, #tpu.memory_space<vmem>>
    %dma_wait3A_153 = tpu.memref_squeeze %dma_wait3A_152 : memref<1x128xi32, #tpu.memory_space<vmem>> -> memref<128xi32, #tpu.memory_space<vmem>>
    %dma_wait3A_154 = arith.constant 0 : i32
    %dma_wait3A_155 = arith.constant 0 : i32
    %dma_wait3A_156 = tpu.memref_slice %arg13[%dma_wait3A_154, %dma_wait3A_155] : memref<10240x16xf32, #tpu.memory_space<vmem_shared>> -> memref<10240x16xf32, #tpu.memory_space<vmem_shared>>
    tpu.wait_indirect_dma semaphore(%arg15 : memref<!tpu.dma_semaphore, #tpu.memory_space<semaphore_mem>>) src(%arg10 : memref<128x16xf32, #tpu.memory_space<vmem>>) dst(%dma_wait3A_156 : memref<10240x16xf32, #tpu.memory_space<vmem_shared>>)
    %barrier3A_157 = arith.constant 0 : index
    tpu.barrier barrier_id(%barrier3A_157)
    "tpu.region"() ({
      %run_scoped3A = tpu.sem_alloc : memref<!tpu.dma_semaphore, #tpu.memory_space<semaphore_mem>>
      %dma_start3A_158 = arith.constant 0 : i32
      %dma_start3A_159 = tpu.memref_slice %arg5[%arg0, %mul3A_2, %dma_start3A_158] : memref<2x10240x16xf32, #tpu.memory_space<hbm>> -> memref<1x640x16xf32, #tpu.memory_space<hbm>>
      %dma_start3A_160 = tpu.memref_squeeze %dma_start3A_159 : memref<1x640x16xf32, #tpu.memory_space<hbm>> -> memref<640x16xf32, #tpu.memory_space<hbm>>
      %dma_start3A_161 = arith.constant 0 : i32
      %dma_start3A_162 = tpu.memref_slice %arg13[%mul3A_2, %dma_start3A_161] : memref<10240x16xf32, #tpu.memory_space<vmem_shared>> -> memref<640x16xf32, #tpu.memory_space<vmem_shared>>
      tpu.enqueue_dma source(%dma_start3A_162 : memref<640x16xf32, #tpu.memory_space<vmem_shared>>) target(%dma_start3A_160 : memref<640x16xf32, #tpu.memory_space<hbm>>) target_semaphore(%run_scoped3A : memref<!tpu.dma_semaphore, #tpu.memory_space<semaphore_mem>>)
      %dma_wait3A_163 = arith.constant 0 : i32
      %dma_wait3A_164 = tpu.memref_slice %arg5[%arg0, %mul3A_2, %dma_wait3A_163] : memref<2x10240x16xf32, #tpu.memory_space<hbm>> -> memref<1x640x16xf32, #tpu.memory_space<hbm>>
      %dma_wait3A_165 = tpu.memref_squeeze %dma_wait3A_164 : memref<1x640x16xf32, #tpu.memory_space<hbm>> -> memref<640x16xf32, #tpu.memory_space<hbm>>
      %dma_wait3A_166 = arith.constant 0 : i32
      %dma_wait3A_167 = tpu.memref_slice %arg13[%mul3A_2, %dma_wait3A_166] : memref<10240x16xf32, #tpu.memory_space<vmem_shared>> -> memref<640x16xf32, #tpu.memory_space<vmem_shared>>
      tpu.wait_dma2 semaphore(%run_scoped3A : memref<!tpu.dma_semaphore, #tpu.memory_space<semaphore_mem>>) src(%dma_wait3A_167 : memref<640x16xf32, #tpu.memory_space<vmem_shared>>) dst(%dma_wait3A_165 : memref<640x16xf32, #tpu.memory_space<hbm>>)
      tpu.yield
    }) : () -> ()
    return
  }
}

#map = affine_map<(d0, d1) -> (0, 0, 0)>
#map1 = affine_map<(d0, d1) -> (0, 0)>
module attributes {stable_mosaic.version = 14 : i64} {
  func.func @agg(%arg0: i32, %arg1: i32, %arg2: memref<32x79x128xi32, #tpu.memory_space<hbm>>, %arg3: memref<32x79x128xi32, #tpu.memory_space<hbm>>, %arg4: memref<10000x16xf32, #tpu.memory_space<hbm>>, %arg5: memref<2x10240x16xf32, #tpu.memory_space<hbm>>, %arg6: memref<79x128xi32, #tpu.memory_space<vmem>>, %arg7: memref<79x128xi32, #tpu.memory_space<vmem>>, %arg8: memref<128x16xf32, #tpu.memory_space<vmem>>, %arg9: memref<128x16xf32, #tpu.memory_space<vmem>>, %arg10: memref<128x16xf32, #tpu.memory_space<vmem>>, %arg11: memref<128x16xf32, #tpu.memory_space<vmem>>, %arg12: memref<640x16xf32, #tpu.memory_space<vmem>>, %arg13: memref<10240x16xf32, #tpu.memory_space<vmem_shared>>, %arg14: memref<!tpu.dma_semaphore, #tpu.memory_space<semaphore_mem>>, %arg15: memref<!tpu.dma_semaphore, #tpu.memory_space<semaphore_mem>>) attributes {dimension_semantics = [#tpu.dimension_semantics<core_parallel>, #tpu.dimension_semantics<subcore_parallel>], iteration_bounds = array<i64: 2, 16>, scalar_prefetch = 0 : i64, scratch_operands = 10 : i64, tpu.core_type = #tpu.core_type<sc_vector_subcore>, window_params = [{transform_indices = #map}, {transform_indices = #map}, {transform_indices = #map1}, {transform_indices = #map}]} {
    %mul3A = arith.constant 2 : i32
    %mul3A_0 = arith.muli %arg1, %mul3A : i32
    %add3A = arith.addi %mul3A_0, %arg0 : i32
    %mul3A_1 = arith.constant 640 : i32
    %mul3A_2 = arith.muli %arg1, %mul3A_1 : i32
    %dma_start3A = arith.constant 0 : i32
    %dma_start3A_3 = arith.constant 0 : i32
    %dma_start3A_4 = tpu.memref_slice %arg2[%add3A, %dma_start3A, %dma_start3A_3] : memref<32x79x128xi32, #tpu.memory_space<hbm>> -> memref<1x79x128xi32, #tpu.memory_space<hbm>>
    %dma_start3A_5 = tpu.memref_squeeze %dma_start3A_4 : memref<1x79x128xi32, #tpu.memory_space<hbm>> -> memref<79x128xi32, #tpu.memory_space<hbm>>
    %dma_start3A_6 = arith.constant 0 : i32
    %dma_start3A_7 = arith.constant 0 : i32
    %dma_start3A_8 = tpu.memref_slice %arg2[%add3A, %dma_start3A_6, %dma_start3A_7] : memref<32x79x128xi32, #tpu.memory_space<hbm>> -> memref<1x79x128xi32, #tpu.memory_space<hbm>>
    %dma_start3A_9 = tpu.memref_squeeze %dma_start3A_8 : memref<1x79x128xi32, #tpu.memory_space<hbm>> -> memref<79x128xi32, #tpu.memory_space<hbm>>
    tpu.enqueue_dma source(%dma_start3A_9 : memref<79x128xi32, #tpu.memory_space<hbm>>) target(%arg6 : memref<79x128xi32, #tpu.memory_space<vmem>>) target_semaphore(%arg14 : memref<!tpu.dma_semaphore, #tpu.memory_space<semaphore_mem>>)
    %dma_start3A_10 = arith.constant 0 : i32
    %dma_start3A_11 = arith.constant 0 : i32
    %dma_start3A_12 = tpu.memref_slice %arg3[%add3A, %dma_start3A_10, %dma_start3A_11] : memref<32x79x128xi32, #tpu.memory_space<hbm>> -> memref<1x79x128xi32, #tpu.memory_space<hbm>>
    %dma_start3A_13 = tpu.memref_squeeze %dma_start3A_12 : memref<1x79x128xi32, #tpu.memory_space<hbm>> -> memref<79x128xi32, #tpu.memory_space<hbm>>
    %dma_start3A_14 = arith.constant 0 : i32
    %dma_start3A_15 = arith.constant 0 : i32
    %dma_start3A_16 = tpu.memref_slice %arg3[%add3A, %dma_start3A_14, %dma_start3A_15] : memref<32x79x128xi32, #tpu.memory_space<hbm>> -> memref<1x79x128xi32, #tpu.memory_space<hbm>>
    %dma_start3A_17 = tpu.memref_squeeze %dma_start3A_16 : memref<1x79x128xi32, #tpu.memory_space<hbm>> -> memref<79x128xi32, #tpu.memory_space<hbm>>
    tpu.enqueue_dma source(%dma_start3A_17 : memref<79x128xi32, #tpu.memory_space<hbm>>) target(%arg7 : memref<79x128xi32, #tpu.memory_space<vmem>>) target_semaphore(%arg14 : memref<!tpu.dma_semaphore, #tpu.memory_space<semaphore_mem>>)
    %broadcast_in_dim3A = arith.constant 0.000000e+00 : f32
    %broadcast_in_dim3A_18 = vector.broadcast %broadcast_in_dim3A : f32 to vector<16xf32>
    %scan3A = arith.constant 0 : i32
    %scan3A_19 = arith.constant 0 : i32
    %scan3A_20 = arith.constant 640 : i32
    %scan3A_21 = arith.addi %scan3A_19, %scan3A_20 : i32
    %scan3A_22 = arith.constant 1 : i32
    scf.for %scan3A_158 = %scan3A_19 to %scan3A_21 step %scan3A_22  : i32 {
      %swap3A = arith.index_cast %scan3A_158 : i32 to index
      %swap3A_159 = arith.constant 0 : index
      %swap3A_160 = tpu.vector_load %arg12[%swap3A, %swap3A_159] {strides = array<i32>} : memref<640x16xf32, #tpu.memory_space<vmem>>, vector<1x16xf32>,
      %swap3A_161 = vector.shape_cast %swap3A_160 : vector<1x16xf32> to vector<16xf32>
      %swap3A_162 = vector.shape_cast %broadcast_in_dim3A_18 : vector<16xf32> to vector<1x16xf32>
      tpu.vector_store %arg12[%swap3A, %swap3A_159], %swap3A_162 {strides = array<i32>} : memref<640x16xf32, #tpu.memory_space<vmem>>, vector<1x16xf32>,
    }
    %scan3A_23 = arith.constant 640 : i32
    "tpu.region"() ({
      %run_scoped3A = tpu.sem_alloc : memref<!tpu.dma_semaphore, #tpu.memory_space<semaphore_mem>>
      %dma_start3A_158 = arith.constant 0 : i32
      %dma_start3A_159 = tpu.memref_slice %arg13[%mul3A_2, %dma_start3A_158] : memref<10240x16xf32, #tpu.memory_space<vmem_shared>> -> memref<640x16xf32, #tpu.memory_space<vmem_shared>>
      %dma_start3A_160 = arith.constant 0 : i32
      %dma_start3A_161 = tpu.memref_slice %arg13[%mul3A_2, %dma_start3A_160] : memref<10240x16xf32, #tpu.memory_space<vmem_shared>> -> memref<640x16xf32, #tpu.memory_space<vmem_shared>>
      tpu.enqueue_dma source(%arg12 : memref<640x16xf32, #tpu.memory_space<vmem>>) target(%dma_start3A_161 : memref<640x16xf32, #tpu.memory_space<vmem_shared>>) target_semaphore(%run_scoped3A : memref<!tpu.dma_semaphore, #tpu.memory_space<semaphore_mem>>)
      %dma_wait3A_162 = arith.constant 0 : i32
      %dma_wait3A_163 = tpu.memref_slice %arg13[%mul3A_2, %dma_wait3A_162] : memref<10240x16xf32, #tpu.memory_space<vmem_shared>> -> memref<640x16xf32, #tpu.memory_space<vmem_shared>>
      %dma_wait3A_164 = arith.constant 0 : i32
      %dma_wait3A_165 = tpu.memref_slice %arg13[%mul3A_2, %dma_wait3A_164] : memref<10240x16xf32, #tpu.memory_space<vmem_shared>> -> memref<640x16xf32, #tpu.memory_space<vmem_shared>>
      tpu.wait_dma2 semaphore(%run_scoped3A : memref<!tpu.dma_semaphore, #tpu.memory_space<semaphore_mem>>) src(%arg12 : memref<640x16xf32, #tpu.memory_space<vmem>>) dst(%dma_wait3A_165 : memref<640x16xf32, #tpu.memory_space<vmem_shared>>)
      tpu.yield
    }) : () -> ()
    %barrier3A = arith.constant 0 : index
    tpu.barrier barrier_id(%barrier3A)
    %dma_wait3A = arith.constant 0 : i32
    %dma_wait3A_24 = arith.constant 0 : i32
    %dma_wait3A_25 = tpu.memref_slice %arg2[%add3A, %dma_wait3A, %dma_wait3A_24] : memref<32x79x128xi32, #tpu.memory_space<hbm>> -> memref<1x79x128xi32, #tpu.memory_space<hbm>>
    %dma_wait3A_26 = tpu.memref_squeeze %dma_wait3A_25 : memref<1x79x128xi32, #tpu.memory_space<hbm>> -> memref<79x128xi32, #tpu.memory_space<hbm>>
    %dma_wait3A_27 = arith.constant 0 : i32
    %dma_wait3A_28 = arith.constant 0 : i32
    %dma_wait3A_29 = tpu.memref_slice %arg2[%add3A, %dma_wait3A_27, %dma_wait3A_28] : memref<32x79x128xi32, #tpu.memory_space<hbm>> -> memref<1x79x128xi32, #tpu.memory_space<hbm>>
    %dma_wait3A_30 = tpu.memref_squeeze %dma_wait3A_29 : memref<1x79x128xi32, #tpu.memory_space<hbm>> -> memref<79x128xi32, #tpu.memory_space<hbm>>
    tpu.wait_dma2 semaphore(%arg14 : memref<!tpu.dma_semaphore, #tpu.memory_space<semaphore_mem>>) src(%dma_wait3A_30 : memref<79x128xi32, #tpu.memory_space<hbm>>) dst(%arg6 : memref<79x128xi32, #tpu.memory_space<vmem>>)
    %dma_wait3A_31 = arith.constant 0 : i32
    %dma_wait3A_32 = arith.constant 0 : i32
    %dma_wait3A_33 = tpu.memref_slice %arg3[%add3A, %dma_wait3A_31, %dma_wait3A_32] : memref<32x79x128xi32, #tpu.memory_space<hbm>> -> memref<1x79x128xi32, #tpu.memory_space<hbm>>
    %dma_wait3A_34 = tpu.memref_squeeze %dma_wait3A_33 : memref<1x79x128xi32, #tpu.memory_space<hbm>> -> memref<79x128xi32, #tpu.memory_space<hbm>>
    %dma_wait3A_35 = arith.constant 0 : i32
    %dma_wait3A_36 = arith.constant 0 : i32
    %dma_wait3A_37 = tpu.memref_slice %arg3[%add3A, %dma_wait3A_35, %dma_wait3A_36] : memref<32x79x128xi32, #tpu.memory_space<hbm>> -> memref<1x79x128xi32, #tpu.memory_space<hbm>>
    %dma_wait3A_38 = tpu.memref_squeeze %dma_wait3A_37 : memref<1x79x128xi32, #tpu.memory_space<hbm>> -> memref<79x128xi32, #tpu.memory_space<hbm>>
    tpu.wait_dma2 semaphore(%arg14 : memref<!tpu.dma_semaphore, #tpu.memory_space<semaphore_mem>>) src(%dma_wait3A_38 : memref<79x128xi32, #tpu.memory_space<hbm>>) dst(%arg7 : memref<79x128xi32, #tpu.memory_space<vmem>>)
    %scan3A_39 = arith.constant 0 : i32
    %scan3A_40 = arith.constant 0 : i32
    %scan3A_41 = arith.constant 19 : i32
    %scan3A_42 = arith.addi %scan3A_40, %scan3A_41 : i32
    %scan3A_43 = arith.constant 1 : i32
    scf.for %scan3A_158 = %scan3A_40 to %scan3A_42 step %scan3A_43  : i32 {
      %mul3A_159 = arith.constant 4 : i32
      %mul3A_160 = arith.muli %scan3A_158, %mul3A_159 : i32
      %add3A_161 = arith.constant 0 : i32
      %add3A_162 = arith.addi %mul3A_160, %add3A_161 : i32
      %ge3A = arith.constant 4 : i32
      %ge3A_163 = arith.cmpi sge, %add3A_162, %ge3A : i32
      %convert_element_type3A = arith.extui %ge3A_163 : i1 to i32
      %cond3A = arith.constant 0 : i32
      %cond3A_164 = arith.cmpi ne, %convert_element_type3A, %cond3A : i32
      scf.if %cond3A_164 {
        %sub3A = arith.constant 4 : i32
        %sub3A_264 = arith.subi %add3A_162, %sub3A : i32
        %dma_wait3A_265 = arith.constant 0 : i32
        %dma_wait3A_266 = tpu.memref_slice %arg7[%sub3A_264, %dma_wait3A_265] : memref<79x128xi32, #tpu.memory_space<vmem>> -> memref<1x128xi32, #tpu.memory_space<vmem>>
        %dma_wait3A_267 = tpu.memref_squeeze %dma_wait3A_266 : memref<1x128xi32, #tpu.memory_space<vmem>> -> memref<128xi32, #tpu.memory_space<vmem>>
        %dma_wait3A_268 = arith.constant 0 : i32
        %dma_wait3A_269 = arith.constant 0 : i32
        %dma_wait3A_270 = tpu.memref_slice %arg13[%dma_wait3A_268, %dma_wait3A_269] : memref<10240x16xf32, #tpu.memory_space<vmem_shared>> -> memref<10240x16xf32, #tpu.memory_space<vmem_shared>>
        tpu.wait_indirect_dma semaphore(%arg15 : memref<!tpu.dma_semaphore, #tpu.memory_space<semaphore_mem>>) src(%arg8 : memref<128x16xf32, #tpu.memory_space<vmem>>) dst(%dma_wait3A_270 : memref<10240x16xf32, #tpu.memory_space<vmem_shared>>)
      } else {
      }
      %dma_start3A_165 = arith.constant 0 : i32
      %dma_start3A_166 = tpu.memref_slice %arg6[%add3A_162, %dma_start3A_165] : memref<79x128xi32, #tpu.memory_space<vmem>> -> memref<1x128xi32, #tpu.memory_space<vmem>>
      %dma_start3A_167 = tpu.memref_squeeze %dma_start3A_166 : memref<1x128xi32, #tpu.memory_space<vmem>> -> memref<128xi32, #tpu.memory_space<vmem>>
      %dma_start3A_168 = arith.constant 0 : i32
      %dma_start3A_169 = arith.constant 0 : i32
      %dma_start3A_170 = tpu.memref_slice %arg4[%dma_start3A_168, %dma_start3A_169] : memref<10000x16xf32, #tpu.memory_space<hbm>> -> memref<10000x16xf32, #tpu.memory_space<hbm>>
      tpu.enqueue_indirect_dma source(%dma_start3A_170 : memref<10000x16xf32, #tpu.memory_space<hbm>>) target(%arg8 : memref<128x16xf32, #tpu.memory_space<vmem>>) offsets(%dma_start3A_167 : memref<128xi32, #tpu.memory_space<vmem>>) semaphore(%arg14 : memref<!tpu.dma_semaphore, #tpu.memory_space<semaphore_mem>>)
      %dma_wait3A_171 = arith.constant 0 : i32
      %dma_wait3A_172 = tpu.memref_slice %arg6[%add3A_162, %dma_wait3A_171] : memref<79x128xi32, #tpu.memory_space<vmem>> -> memref<1x128xi32, #tpu.memory_space<vmem>>
      %dma_wait3A_173 = tpu.memref_squeeze %dma_wait3A_172 : memref<1x128xi32, #tpu.memory_space<vmem>> -> memref<128xi32, #tpu.memory_space<vmem>>
      %dma_wait3A_174 = arith.constant 0 : i32
      %dma_wait3A_175 = arith.constant 0 : i32
      %dma_wait3A_176 = tpu.memref_slice %arg4[%dma_wait3A_174, %dma_wait3A_175] : memref<10000x16xf32, #tpu.memory_space<hbm>> -> memref<10000x16xf32, #tpu.memory_space<hbm>>
      tpu.wait_indirect_dma semaphore(%arg14 : memref<!tpu.dma_semaphore, #tpu.memory_space<semaphore_mem>>) src(%dma_wait3A_176 : memref<10000x16xf32, #tpu.memory_space<hbm>>) dst(%arg8 : memref<128x16xf32, #tpu.memory_space<vmem>>)
      %dma_start3A_177 = arith.constant 0 : i32
      %dma_start3A_178 = tpu.memref_slice %arg7[%add3A_162, %dma_start3A_177] : memref<79x128xi32, #tpu.memory_space<vmem>> -> memref<1x128xi32, #tpu.memory_space<vmem>>
      %dma_start3A_179 = tpu.memref_squeeze %dma_start3A_178 : memref<1x128xi32, #tpu.memory_space<vmem>> -> memref<128xi32, #tpu.memory_space<vmem>>
      %dma_start3A_180 = arith.constant 0 : i32
      %dma_start3A_181 = arith.constant 0 : i32
      %dma_start3A_182 = tpu.memref_slice %arg13[%dma_start3A_180, %dma_start3A_181] : memref<10240x16xf32, #tpu.memory_space<vmem_shared>> -> memref<10240x16xf32, #tpu.memory_space<vmem_shared>>
      tpu.enqueue_indirect_dma source(%arg8 : memref<128x16xf32, #tpu.memory_space<vmem>>) target(%dma_start3A_182 : memref<10240x16xf32, #tpu.memory_space<vmem_shared>>) offsets(%dma_start3A_179 : memref<128xi32, #tpu.memory_space<vmem>>) semaphore(%arg15 : memref<!tpu.dma_semaphore, #tpu.memory_space<semaphore_mem>>) {add = true}
      %mul3A_183 = arith.constant 4 : i32
      %mul3A_184 = arith.muli %scan3A_158, %mul3A_183 : i32
      %add3A_185 = arith.constant 1 : i32
      %add3A_186 = arith.addi %mul3A_184, %add3A_185 : i32
      %ge3A_187 = arith.constant 4 : i32
      %ge3A_188 = arith.cmpi sge, %add3A_186, %ge3A_187 : i32
      %convert_element_type3A_189 = arith.extui %ge3A_188 : i1 to i32
      %cond3A_190 = arith.constant 0 : i32
      %cond3A_191 = arith.cmpi ne, %convert_element_type3A_189, %cond3A_190 : i32
      scf.if %cond3A_191 {
        %sub3A = arith.constant 4 : i32
        %sub3A_264 = arith.subi %add3A_186, %sub3A : i32
        %dma_wait3A_265 = arith.constant 0 : i32
        %dma_wait3A_266 = tpu.memref_slice %arg7[%sub3A_264, %dma_wait3A_265] : memref<79x128xi32, #tpu.memory_space<vmem>> -> memref<1x128xi32, #tpu.memory_space<vmem>>
        %dma_wait3A_267 = tpu.memref_squeeze %dma_wait3A_266 : memref<1x128xi32, #tpu.memory_space<vmem>> -> memref<128xi32, #tpu.memory_space<vmem>>
        %dma_wait3A_268 = arith.constant 0 : i32
        %dma_wait3A_269 = arith.constant 0 : i32
        %dma_wait3A_270 = tpu.memref_slice %arg13[%dma_wait3A_268, %dma_wait3A_269] : memref<10240x16xf32, #tpu.memory_space<vmem_shared>> -> memref<10240x16xf32, #tpu.memory_space<vmem_shared>>
        tpu.wait_indirect_dma semaphore(%arg15 : memref<!tpu.dma_semaphore, #tpu.memory_space<semaphore_mem>>) src(%arg9 : memref<128x16xf32, #tpu.memory_space<vmem>>) dst(%dma_wait3A_270 : memref<10240x16xf32, #tpu.memory_space<vmem_shared>>)
      } else {
      }
      %dma_start3A_192 = arith.constant 0 : i32
      %dma_start3A_193 = tpu.memref_slice %arg6[%add3A_186, %dma_start3A_192] : memref<79x128xi32, #tpu.memory_space<vmem>> -> memref<1x128xi32, #tpu.memory_space<vmem>>
      %dma_start3A_194 = tpu.memref_squeeze %dma_start3A_193 : memref<1x128xi32, #tpu.memory_space<vmem>> -> memref<128xi32, #tpu.memory_space<vmem>>
      %dma_start3A_195 = arith.constant 0 : i32
      %dma_start3A_196 = arith.constant 0 : i32
      %dma_start3A_197 = tpu.memref_slice %arg4[%dma_start3A_195, %dma_start3A_196] : memref<10000x16xf32, #tpu.memory_space<hbm>> -> memref<10000x16xf32, #tpu.memory_space<hbm>>
      tpu.enqueue_indirect_dma source(%dma_start3A_197 : memref<10000x16xf32, #tpu.memory_space<hbm>>) target(%arg9 : memref<128x16xf32, #tpu.memory_space<vmem>>) offsets(%dma_start3A_194 : memref<128xi32, #tpu.memory_space<vmem>>) semaphore(%arg14 : memref<!tpu.dma_semaphore, #tpu.memory_space<semaphore_mem>>)
      %dma_wait3A_198 = arith.constant 0 : i32
      %dma_wait3A_199 = tpu.memref_slice %arg6[%add3A_186, %dma_wait3A_198] : memref<79x128xi32, #tpu.memory_space<vmem>> -> memref<1x128xi32, #tpu.memory_space<vmem>>
      %dma_wait3A_200 = tpu.memref_squeeze %dma_wait3A_199 : memref<1x128xi32, #tpu.memory_space<vmem>> -> memref<128xi32, #tpu.memory_space<vmem>>
      %dma_wait3A_201 = arith.constant 0 : i32
      %dma_wait3A_202 = arith.constant 0 : i32
      %dma_wait3A_203 = tpu.memref_slice %arg4[%dma_wait3A_201, %dma_wait3A_202] : memref<10000x16xf32, #tpu.memory_space<hbm>> -> memref<10000x16xf32, #tpu.memory_space<hbm>>
      tpu.wait_indirect_dma semaphore(%arg14 : memref<!tpu.dma_semaphore, #tpu.memory_space<semaphore_mem>>) src(%dma_wait3A_203 : memref<10000x16xf32, #tpu.memory_space<hbm>>) dst(%arg9 : memref<128x16xf32, #tpu.memory_space<vmem>>)
      %dma_start3A_204 = arith.constant 0 : i32
      %dma_start3A_205 = tpu.memref_slice %arg7[%add3A_186, %dma_start3A_204] : memref<79x128xi32, #tpu.memory_space<vmem>> -> memref<1x128xi32, #tpu.memory_space<vmem>>
      %dma_start3A_206 = tpu.memref_squeeze %dma_start3A_205 : memref<1x128xi32, #tpu.memory_space<vmem>> -> memref<128xi32, #tpu.memory_space<vmem>>
      %dma_start3A_207 = arith.constant 0 : i32
      %dma_start3A_208 = arith.constant 0 : i32
      %dma_start3A_209 = tpu.memref_slice %arg13[%dma_start3A_207, %dma_start3A_208] : memref<10240x16xf32, #tpu.memory_space<vmem_shared>> -> memref<10240x16xf32, #tpu.memory_space<vmem_shared>>
      tpu.enqueue_indirect_dma source(%arg9 : memref<128x16xf32, #tpu.memory_space<vmem>>) target(%dma_start3A_209 : memref<10240x16xf32, #tpu.memory_space<vmem_shared>>) offsets(%dma_start3A_206 : memref<128xi32, #tpu.memory_space<vmem>>) semaphore(%arg15 : memref<!tpu.dma_semaphore, #tpu.memory_space<semaphore_mem>>) {add = true}
      %mul3A_210 = arith.constant 4 : i32
      %mul3A_211 = arith.muli %scan3A_158, %mul3A_210 : i32
      %add3A_212 = arith.constant 2 : i32
      %add3A_213 = arith.addi %mul3A_211, %add3A_212 : i32
      %ge3A_214 = arith.constant 4 : i32
      %ge3A_215 = arith.cmpi sge, %add3A_213, %ge3A_214 : i32
      %convert_element_type3A_216 = arith.extui %ge3A_215 : i1 to i32
      %cond3A_217 = arith.constant 0 : i32
      %cond3A_218 = arith.cmpi ne, %convert_element_type3A_216, %cond3A_217 : i32
      scf.if %cond3A_218 {
        %sub3A = arith.constant 4 : i32
        %sub3A_264 = arith.subi %add3A_213, %sub3A : i32
        %dma_wait3A_265 = arith.constant 0 : i32
        %dma_wait3A_266 = tpu.memref_slice %arg7[%sub3A_264, %dma_wait3A_265] : memref<79x128xi32, #tpu.memory_space<vmem>> -> memref<1x128xi32, #tpu.memory_space<vmem>>
        %dma_wait3A_267 = tpu.memref_squeeze %dma_wait3A_266 : memref<1x128xi32, #tpu.memory_space<vmem>> -> memref<128xi32, #tpu.memory_space<vmem>>
        %dma_wait3A_268 = arith.constant 0 : i32
        %dma_wait3A_269 = arith.constant 0 : i32
        %dma_wait3A_270 = tpu.memref_slice %arg13[%dma_wait3A_268, %dma_wait3A_269] : memref<10240x16xf32, #tpu.memory_space<vmem_shared>> -> memref<10240x16xf32, #tpu.memory_space<vmem_shared>>
        tpu.wait_indirect_dma semaphore(%arg15 : memref<!tpu.dma_semaphore, #tpu.memory_space<semaphore_mem>>) src(%arg10 : memref<128x16xf32, #tpu.memory_space<vmem>>) dst(%dma_wait3A_270 : memref<10240x16xf32, #tpu.memory_space<vmem_shared>>)
      } else {
      }
      %dma_start3A_219 = arith.constant 0 : i32
      %dma_start3A_220 = tpu.memref_slice %arg6[%add3A_213, %dma_start3A_219] : memref<79x128xi32, #tpu.memory_space<vmem>> -> memref<1x128xi32, #tpu.memory_space<vmem>>
      %dma_start3A_221 = tpu.memref_squeeze %dma_start3A_220 : memref<1x128xi32, #tpu.memory_space<vmem>> -> memref<128xi32, #tpu.memory_space<vmem>>
      %dma_start3A_222 = arith.constant 0 : i32
      %dma_start3A_223 = arith.constant 0 : i32
      %dma_start3A_224 = tpu.memref_slice %arg4[%dma_start3A_222, %dma_start3A_223] : memref<10000x16xf32, #tpu.memory_space<hbm>> -> memref<10000x16xf32, #tpu.memory_space<hbm>>
      tpu.enqueue_indirect_dma source(%dma_start3A_224 : memref<10000x16xf32, #tpu.memory_space<hbm>>) target(%arg10 : memref<128x16xf32, #tpu.memory_space<vmem>>) offsets(%dma_start3A_221 : memref<128xi32, #tpu.memory_space<vmem>>) semaphore(%arg14 : memref<!tpu.dma_semaphore, #tpu.memory_space<semaphore_mem>>)
      %dma_wait3A_225 = arith.constant 0 : i32
      %dma_wait3A_226 = tpu.memref_slice %arg6[%add3A_213, %dma_wait3A_225] : memref<79x128xi32, #tpu.memory_space<vmem>> -> memref<1x128xi32, #tpu.memory_space<vmem>>
      %dma_wait3A_227 = tpu.memref_squeeze %dma_wait3A_226 : memref<1x128xi32, #tpu.memory_space<vmem>> -> memref<128xi32, #tpu.memory_space<vmem>>
      %dma_wait3A_228 = arith.constant 0 : i32
      %dma_wait3A_229 = arith.constant 0 : i32
      %dma_wait3A_230 = tpu.memref_slice %arg4[%dma_wait3A_228, %dma_wait3A_229] : memref<10000x16xf32, #tpu.memory_space<hbm>> -> memref<10000x16xf32, #tpu.memory_space<hbm>>
      tpu.wait_indirect_dma semaphore(%arg14 : memref<!tpu.dma_semaphore, #tpu.memory_space<semaphore_mem>>) src(%dma_wait3A_230 : memref<10000x16xf32, #tpu.memory_space<hbm>>) dst(%arg10 : memref<128x16xf32, #tpu.memory_space<vmem>>)
      %dma_start3A_231 = arith.constant 0 : i32
      %dma_start3A_232 = tpu.memref_slice %arg7[%add3A_213, %dma_start3A_231] : memref<79x128xi32, #tpu.memory_space<vmem>> -> memref<1x128xi32, #tpu.memory_space<vmem>>
      %dma_start3A_233 = tpu.memref_squeeze %dma_start3A_232 : memref<1x128xi32, #tpu.memory_space<vmem>> -> memref<128xi32, #tpu.memory_space<vmem>>
      %dma_start3A_234 = arith.constant 0 : i32
      %dma_start3A_235 = arith.constant 0 : i32
      %dma_start3A_236 = tpu.memref_slice %arg13[%dma_start3A_234, %dma_start3A_235] : memref<10240x16xf32, #tpu.memory_space<vmem_shared>> -> memref<10240x16xf32, #tpu.memory_space<vmem_shared>>
      tpu.enqueue_indirect_dma source(%arg10 : memref<128x16xf32, #tpu.memory_space<vmem>>) target(%dma_start3A_236 : memref<10240x16xf32, #tpu.memory_space<vmem_shared>>) offsets(%dma_start3A_233 : memref<128xi32, #tpu.memory_space<vmem>>) semaphore(%arg15 : memref<!tpu.dma_semaphore, #tpu.memory_space<semaphore_mem>>) {add = true}
      %mul3A_237 = arith.constant 4 : i32
      %mul3A_238 = arith.muli %scan3A_158, %mul3A_237 : i32
      %add3A_239 = arith.constant 3 : i32
      %add3A_240 = arith.addi %mul3A_238, %add3A_239 : i32
      %ge3A_241 = arith.constant 4 : i32
      %ge3A_242 = arith.cmpi sge, %add3A_240, %ge3A_241 : i32
      %convert_element_type3A_243 = arith.extui %ge3A_242 : i1 to i32
      %cond3A_244 = arith.constant 0 : i32
      %cond3A_245 = arith.cmpi ne, %convert_element_type3A_243, %cond3A_244 : i32
      scf.if %cond3A_245 {
        %sub3A = arith.constant 4 : i32
        %sub3A_264 = arith.subi %add3A_240, %sub3A : i32
        %dma_wait3A_265 = arith.constant 0 : i32
        %dma_wait3A_266 = tpu.memref_slice %arg7[%sub3A_264, %dma_wait3A_265] : memref<79x128xi32, #tpu.memory_space<vmem>> -> memref<1x128xi32, #tpu.memory_space<vmem>>
        %dma_wait3A_267 = tpu.memref_squeeze %dma_wait3A_266 : memref<1x128xi32, #tpu.memory_space<vmem>> -> memref<128xi32, #tpu.memory_space<vmem>>
        %dma_wait3A_268 = arith.constant 0 : i32
        %dma_wait3A_269 = arith.constant 0 : i32
        %dma_wait3A_270 = tpu.memref_slice %arg13[%dma_wait3A_268, %dma_wait3A_269] : memref<10240x16xf32, #tpu.memory_space<vmem_shared>> -> memref<10240x16xf32, #tpu.memory_space<vmem_shared>>
        tpu.wait_indirect_dma semaphore(%arg15 : memref<!tpu.dma_semaphore, #tpu.memory_space<semaphore_mem>>) src(%arg11 : memref<128x16xf32, #tpu.memory_space<vmem>>) dst(%dma_wait3A_270 : memref<10240x16xf32, #tpu.memory_space<vmem_shared>>)
      } else {
      }
      %dma_start3A_246 = arith.constant 0 : i32
      %dma_start3A_247 = tpu.memref_slice %arg6[%add3A_240, %dma_start3A_246] : memref<79x128xi32, #tpu.memory_space<vmem>> -> memref<1x128xi32, #tpu.memory_space<vmem>>
      %dma_start3A_248 = tpu.memref_squeeze %dma_start3A_247 : memref<1x128xi32, #tpu.memory_space<vmem>> -> memref<128xi32, #tpu.memory_space<vmem>>
      %dma_start3A_249 = arith.constant 0 : i32
      %dma_start3A_250 = arith.constant 0 : i32
      %dma_start3A_251 = tpu.memref_slice %arg4[%dma_start3A_249, %dma_start3A_250] : memref<10000x16xf32, #tpu.memory_space<hbm>> -> memref<10000x16xf32, #tpu.memory_space<hbm>>
      tpu.enqueue_indirect_dma source(%dma_start3A_251 : memref<10000x16xf32, #tpu.memory_space<hbm>>) target(%arg11 : memref<128x16xf32, #tpu.memory_space<vmem>>) offsets(%dma_start3A_248 : memref<128xi32, #tpu.memory_space<vmem>>) semaphore(%arg14 : memref<!tpu.dma_semaphore, #tpu.memory_space<semaphore_mem>>)
      %dma_wait3A_252 = arith.constant 0 : i32
      %dma_wait3A_253 = tpu.memref_slice %arg6[%add3A_240, %dma_wait3A_252] : memref<79x128xi32, #tpu.memory_space<vmem>> -> memref<1x128xi32, #tpu.memory_space<vmem>>
      %dma_wait3A_254 = tpu.memref_squeeze %dma_wait3A_253 : memref<1x128xi32, #tpu.memory_space<vmem>> -> memref<128xi32, #tpu.memory_space<vmem>>
      %dma_wait3A_255 = arith.constant 0 : i32
      %dma_wait3A_256 = arith.constant 0 : i32
      %dma_wait3A_257 = tpu.memref_slice %arg4[%dma_wait3A_255, %dma_wait3A_256] : memref<10000x16xf32, #tpu.memory_space<hbm>> -> memref<10000x16xf32, #tpu.memory_space<hbm>>
      tpu.wait_indirect_dma semaphore(%arg14 : memref<!tpu.dma_semaphore, #tpu.memory_space<semaphore_mem>>) src(%dma_wait3A_257 : memref<10000x16xf32, #tpu.memory_space<hbm>>) dst(%arg11 : memref<128x16xf32, #tpu.memory_space<vmem>>)
      %dma_start3A_258 = arith.constant 0 : i32
      %dma_start3A_259 = tpu.memref_slice %arg7[%add3A_240, %dma_start3A_258] : memref<79x128xi32, #tpu.memory_space<vmem>> -> memref<1x128xi32, #tpu.memory_space<vmem>>
      %dma_start3A_260 = tpu.memref_squeeze %dma_start3A_259 : memref<1x128xi32, #tpu.memory_space<vmem>> -> memref<128xi32, #tpu.memory_space<vmem>>
      %dma_start3A_261 = arith.constant 0 : i32
      %dma_start3A_262 = arith.constant 0 : i32
      %dma_start3A_263 = tpu.memref_slice %arg13[%dma_start3A_261, %dma_start3A_262] : memref<10240x16xf32, #tpu.memory_space<vmem_shared>> -> memref<10240x16xf32, #tpu.memory_space<vmem_shared>>
      tpu.enqueue_indirect_dma source(%arg11 : memref<128x16xf32, #tpu.memory_space<vmem>>) target(%dma_start3A_263 : memref<10240x16xf32, #tpu.memory_space<vmem_shared>>) offsets(%dma_start3A_260 : memref<128xi32, #tpu.memory_space<vmem>>) semaphore(%arg15 : memref<!tpu.dma_semaphore, #tpu.memory_space<semaphore_mem>>) {add = true}
    }
    %scan3A_44 = arith.constant 19 : i32
    %dma_wait3A_45 = arith.constant 72 : i32
    %dma_wait3A_46 = arith.constant 0 : i32
    %dma_wait3A_47 = tpu.memref_slice %arg7[%dma_wait3A_45, %dma_wait3A_46] : memref<79x128xi32, #tpu.memory_space<vmem>> -> memref<1x128xi32, #tpu.memory_space<vmem>>
    %dma_wait3A_48 = tpu.memref_squeeze %dma_wait3A_47 : memref<1x128xi32, #tpu.memory_space<vmem>> -> memref<128xi32, #tpu.memory_space<vmem>>
    %dma_wait3A_49 = arith.constant 0 : i32
    %dma_wait3A_50 = arith.constant 0 : i32
    %dma_wait3A_51 = tpu.memref_slice %arg13[%dma_wait3A_49, %dma_wait3A_50] : memref<10240x16xf32, #tpu.memory_space<vmem_shared>> -> memref<10240x16xf32, #tpu.memory_space<vmem_shared>>
    tpu.wait_indirect_dma semaphore(%arg15 : memref<!tpu.dma_semaphore, #tpu.memory_space<semaphore_mem>>) src(%arg8 : memref<128x16xf32, #tpu.memory_space<vmem>>) dst(%dma_wait3A_51 : memref<10240x16xf32, #tpu.memory_space<vmem_shared>>)
    %dma_start3A_52 = arith.constant 76 : i32
    %dma_start3A_53 = arith.constant 0 : i32
    %dma_start3A_54 = tpu.memref_slice %arg6[%dma_start3A_52, %dma_start3A_53] : memref<79x128xi32, #tpu.memory_space<vmem>> -> memref<1x128xi32, #tpu.memory_space<vmem>>
    %dma_start3A_55 = tpu.memref_squeeze %dma_start3A_54 : memref<1x128xi32, #tpu.memory_space<vmem>> -> memref<128xi32, #tpu.memory_space<vmem>>
    %dma_start3A_56 = arith.constant 0 : i32
    %dma_start3A_57 = arith.constant 0 : i32
    %dma_start3A_58 = tpu.memref_slice %arg4[%dma_start3A_56, %dma_start3A_57] : memref<10000x16xf32, #tpu.memory_space<hbm>> -> memref<10000x16xf32, #tpu.memory_space<hbm>>
    tpu.enqueue_indirect_dma source(%dma_start3A_58 : memref<10000x16xf32, #tpu.memory_space<hbm>>) target(%arg8 : memref<128x16xf32, #tpu.memory_space<vmem>>) offsets(%dma_start3A_55 : memref<128xi32, #tpu.memory_space<vmem>>) semaphore(%arg14 : memref<!tpu.dma_semaphore, #tpu.memory_space<semaphore_mem>>)
    %dma_wait3A_59 = arith.constant 76 : i32
    %dma_wait3A_60 = arith.constant 0 : i32
    %dma_wait3A_61 = tpu.memref_slice %arg6[%dma_wait3A_59, %dma_wait3A_60] : memref<79x128xi32, #tpu.memory_space<vmem>> -> memref<1x128xi32, #tpu.memory_space<vmem>>
    %dma_wait3A_62 = tpu.memref_squeeze %dma_wait3A_61 : memref<1x128xi32, #tpu.memory_space<vmem>> -> memref<128xi32, #tpu.memory_space<vmem>>
    %dma_wait3A_63 = arith.constant 0 : i32
    %dma_wait3A_64 = arith.constant 0 : i32
    %dma_wait3A_65 = tpu.memref_slice %arg4[%dma_wait3A_63, %dma_wait3A_64] : memref<10000x16xf32, #tpu.memory_space<hbm>> -> memref<10000x16xf32, #tpu.memory_space<hbm>>
    tpu.wait_indirect_dma semaphore(%arg14 : memref<!tpu.dma_semaphore, #tpu.memory_space<semaphore_mem>>) src(%dma_wait3A_65 : memref<10000x16xf32, #tpu.memory_space<hbm>>) dst(%arg8 : memref<128x16xf32, #tpu.memory_space<vmem>>)
    %dma_start3A_66 = arith.constant 76 : i32
    %dma_start3A_67 = arith.constant 0 : i32
    %dma_start3A_68 = tpu.memref_slice %arg7[%dma_start3A_66, %dma_start3A_67] : memref<79x128xi32, #tpu.memory_space<vmem>> -> memref<1x128xi32, #tpu.memory_space<vmem>>
    %dma_start3A_69 = tpu.memref_squeeze %dma_start3A_68 : memref<1x128xi32, #tpu.memory_space<vmem>> -> memref<128xi32, #tpu.memory_space<vmem>>
    %dma_start3A_70 = arith.constant 0 : i32
    %dma_start3A_71 = arith.constant 0 : i32
    %dma_start3A_72 = tpu.memref_slice %arg13[%dma_start3A_70, %dma_start3A_71] : memref<10240x16xf32, #tpu.memory_space<vmem_shared>> -> memref<10240x16xf32, #tpu.memory_space<vmem_shared>>
    tpu.enqueue_indirect_dma source(%arg8 : memref<128x16xf32, #tpu.memory_space<vmem>>) target(%dma_start3A_72 : memref<10240x16xf32, #tpu.memory_space<vmem_shared>>) offsets(%dma_start3A_69 : memref<128xi32, #tpu.memory_space<vmem>>) semaphore(%arg15 : memref<!tpu.dma_semaphore, #tpu.memory_space<semaphore_mem>>) {add = true}
    %dma_wait3A_73 = arith.constant 73 : i32
    %dma_wait3A_74 = arith.constant 0 : i32
    %dma_wait3A_75 = tpu.memref_slice %arg7[%dma_wait3A_73, %dma_wait3A_74] : memref<79x128xi32, #tpu.memory_space<vmem>> -> memref<1x128xi32, #tpu.memory_space<vmem>>
    %dma_wait3A_76 = tpu.memref_squeeze %dma_wait3A_75 : memref<1x128xi32, #tpu.memory_space<vmem>> -> memref<128xi32, #tpu.memory_space<vmem>>
    %dma_wait3A_77 = arith.constant 0 : i32
    %dma_wait3A_78 = arith.constant 0 : i32
    %dma_wait3A_79 = tpu.memref_slice %arg13[%dma_wait3A_77, %dma_wait3A_78] : memref<10240x16xf32, #tpu.memory_space<vmem_shared>> -> memref<10240x16xf32, #tpu.memory_space<vmem_shared>>
    tpu.wait_indirect_dma semaphore(%arg15 : memref<!tpu.dma_semaphore, #tpu.memory_space<semaphore_mem>>) src(%arg9 : memref<128x16xf32, #tpu.memory_space<vmem>>) dst(%dma_wait3A_79 : memref<10240x16xf32, #tpu.memory_space<vmem_shared>>)
    %dma_start3A_80 = arith.constant 77 : i32
    %dma_start3A_81 = arith.constant 0 : i32
    %dma_start3A_82 = tpu.memref_slice %arg6[%dma_start3A_80, %dma_start3A_81] : memref<79x128xi32, #tpu.memory_space<vmem>> -> memref<1x128xi32, #tpu.memory_space<vmem>>
    %dma_start3A_83 = tpu.memref_squeeze %dma_start3A_82 : memref<1x128xi32, #tpu.memory_space<vmem>> -> memref<128xi32, #tpu.memory_space<vmem>>
    %dma_start3A_84 = arith.constant 0 : i32
    %dma_start3A_85 = arith.constant 0 : i32
    %dma_start3A_86 = tpu.memref_slice %arg4[%dma_start3A_84, %dma_start3A_85] : memref<10000x16xf32, #tpu.memory_space<hbm>> -> memref<10000x16xf32, #tpu.memory_space<hbm>>
    tpu.enqueue_indirect_dma source(%dma_start3A_86 : memref<10000x16xf32, #tpu.memory_space<hbm>>) target(%arg9 : memref<128x16xf32, #tpu.memory_space<vmem>>) offsets(%dma_start3A_83 : memref<128xi32, #tpu.memory_space<vmem>>) semaphore(%arg14 : memref<!tpu.dma_semaphore, #tpu.memory_space<semaphore_mem>>)
    %dma_wait3A_87 = arith.constant 77 : i32
    %dma_wait3A_88 = arith.constant 0 : i32
    %dma_wait3A_89 = tpu.memref_slice %arg6[%dma_wait3A_87, %dma_wait3A_88] : memref<79x128xi32, #tpu.memory_space<vmem>> -> memref<1x128xi32, #tpu.memory_space<vmem>>
    %dma_wait3A_90 = tpu.memref_squeeze %dma_wait3A_89 : memref<1x128xi32, #tpu.memory_space<vmem>> -> memref<128xi32, #tpu.memory_space<vmem>>
    %dma_wait3A_91 = arith.constant 0 : i32
    %dma_wait3A_92 = arith.constant 0 : i32
    %dma_wait3A_93 = tpu.memref_slice %arg4[%dma_wait3A_91, %dma_wait3A_92] : memref<10000x16xf32, #tpu.memory_space<hbm>> -> memref<10000x16xf32, #tpu.memory_space<hbm>>
    tpu.wait_indirect_dma semaphore(%arg14 : memref<!tpu.dma_semaphore, #tpu.memory_space<semaphore_mem>>) src(%dma_wait3A_93 : memref<10000x16xf32, #tpu.memory_space<hbm>>) dst(%arg9 : memref<128x16xf32, #tpu.memory_space<vmem>>)
    %dma_start3A_94 = arith.constant 77 : i32
    %dma_start3A_95 = arith.constant 0 : i32
    %dma_start3A_96 = tpu.memref_slice %arg7[%dma_start3A_94, %dma_start3A_95] : memref<79x128xi32, #tpu.memory_space<vmem>> -> memref<1x128xi32, #tpu.memory_space<vmem>>
    %dma_start3A_97 = tpu.memref_squeeze %dma_start3A_96 : memref<1x128xi32, #tpu.memory_space<vmem>> -> memref<128xi32, #tpu.memory_space<vmem>>
    %dma_start3A_98 = arith.constant 0 : i32
    %dma_start3A_99 = arith.constant 0 : i32
    %dma_start3A_100 = tpu.memref_slice %arg13[%dma_start3A_98, %dma_start3A_99] : memref<10240x16xf32, #tpu.memory_space<vmem_shared>> -> memref<10240x16xf32, #tpu.memory_space<vmem_shared>>
    tpu.enqueue_indirect_dma source(%arg9 : memref<128x16xf32, #tpu.memory_space<vmem>>) target(%dma_start3A_100 : memref<10240x16xf32, #tpu.memory_space<vmem_shared>>) offsets(%dma_start3A_97 : memref<128xi32, #tpu.memory_space<vmem>>) semaphore(%arg15 : memref<!tpu.dma_semaphore, #tpu.memory_space<semaphore_mem>>) {add = true}
    %dma_wait3A_101 = arith.constant 74 : i32
    %dma_wait3A_102 = arith.constant 0 : i32
    %dma_wait3A_103 = tpu.memref_slice %arg7[%dma_wait3A_101, %dma_wait3A_102] : memref<79x128xi32, #tpu.memory_space<vmem>> -> memref<1x128xi32, #tpu.memory_space<vmem>>
    %dma_wait3A_104 = tpu.memref_squeeze %dma_wait3A_103 : memref<1x128xi32, #tpu.memory_space<vmem>> -> memref<128xi32, #tpu.memory_space<vmem>>
    %dma_wait3A_105 = arith.constant 0 : i32
    %dma_wait3A_106 = arith.constant 0 : i32
    %dma_wait3A_107 = tpu.memref_slice %arg13[%dma_wait3A_105, %dma_wait3A_106] : memref<10240x16xf32, #tpu.memory_space<vmem_shared>> -> memref<10240x16xf32, #tpu.memory_space<vmem_shared>>
    tpu.wait_indirect_dma semaphore(%arg15 : memref<!tpu.dma_semaphore, #tpu.memory_space<semaphore_mem>>) src(%arg10 : memref<128x16xf32, #tpu.memory_space<vmem>>) dst(%dma_wait3A_107 : memref<10240x16xf32, #tpu.memory_space<vmem_shared>>)
    %dma_start3A_108 = arith.constant 78 : i32
    %dma_start3A_109 = arith.constant 0 : i32
    %dma_start3A_110 = tpu.memref_slice %arg6[%dma_start3A_108, %dma_start3A_109] : memref<79x128xi32, #tpu.memory_space<vmem>> -> memref<1x128xi32, #tpu.memory_space<vmem>>
    %dma_start3A_111 = tpu.memref_squeeze %dma_start3A_110 : memref<1x128xi32, #tpu.memory_space<vmem>> -> memref<128xi32, #tpu.memory_space<vmem>>
    %dma_start3A_112 = arith.constant 0 : i32
    %dma_start3A_113 = arith.constant 0 : i32
    %dma_start3A_114 = tpu.memref_slice %arg4[%dma_start3A_112, %dma_start3A_113] : memref<10000x16xf32, #tpu.memory_space<hbm>> -> memref<10000x16xf32, #tpu.memory_space<hbm>>
    tpu.enqueue_indirect_dma source(%dma_start3A_114 : memref<10000x16xf32, #tpu.memory_space<hbm>>) target(%arg10 : memref<128x16xf32, #tpu.memory_space<vmem>>) offsets(%dma_start3A_111 : memref<128xi32, #tpu.memory_space<vmem>>) semaphore(%arg14 : memref<!tpu.dma_semaphore, #tpu.memory_space<semaphore_mem>>)
    %dma_wait3A_115 = arith.constant 78 : i32
    %dma_wait3A_116 = arith.constant 0 : i32
    %dma_wait3A_117 = tpu.memref_slice %arg6[%dma_wait3A_115, %dma_wait3A_116] : memref<79x128xi32, #tpu.memory_space<vmem>> -> memref<1x128xi32, #tpu.memory_space<vmem>>
    %dma_wait3A_118 = tpu.memref_squeeze %dma_wait3A_117 : memref<1x128xi32, #tpu.memory_space<vmem>> -> memref<128xi32, #tpu.memory_space<vmem>>
    %dma_wait3A_119 = arith.constant 0 : i32
    %dma_wait3A_120 = arith.constant 0 : i32
    %dma_wait3A_121 = tpu.memref_slice %arg4[%dma_wait3A_119, %dma_wait3A_120] : memref<10000x16xf32, #tpu.memory_space<hbm>> -> memref<10000x16xf32, #tpu.memory_space<hbm>>
    tpu.wait_indirect_dma semaphore(%arg14 : memref<!tpu.dma_semaphore, #tpu.memory_space<semaphore_mem>>) src(%dma_wait3A_121 : memref<10000x16xf32, #tpu.memory_space<hbm>>) dst(%arg10 : memref<128x16xf32, #tpu.memory_space<vmem>>)
    %dma_start3A_122 = arith.constant 78 : i32
    %dma_start3A_123 = arith.constant 0 : i32
    %dma_start3A_124 = tpu.memref_slice %arg7[%dma_start3A_122, %dma_start3A_123] : memref<79x128xi32, #tpu.memory_space<vmem>> -> memref<1x128xi32, #tpu.memory_space<vmem>>
    %dma_start3A_125 = tpu.memref_squeeze %dma_start3A_124 : memref<1x128xi32, #tpu.memory_space<vmem>> -> memref<128xi32, #tpu.memory_space<vmem>>
    %dma_start3A_126 = arith.constant 0 : i32
    %dma_start3A_127 = arith.constant 0 : i32
    %dma_start3A_128 = tpu.memref_slice %arg13[%dma_start3A_126, %dma_start3A_127] : memref<10240x16xf32, #tpu.memory_space<vmem_shared>> -> memref<10240x16xf32, #tpu.memory_space<vmem_shared>>
    tpu.enqueue_indirect_dma source(%arg10 : memref<128x16xf32, #tpu.memory_space<vmem>>) target(%dma_start3A_128 : memref<10240x16xf32, #tpu.memory_space<vmem_shared>>) offsets(%dma_start3A_125 : memref<128xi32, #tpu.memory_space<vmem>>) semaphore(%arg15 : memref<!tpu.dma_semaphore, #tpu.memory_space<semaphore_mem>>) {add = true}
    %dma_wait3A_129 = arith.constant 75 : i32
    %dma_wait3A_130 = arith.constant 0 : i32
    %dma_wait3A_131 = tpu.memref_slice %arg7[%dma_wait3A_129, %dma_wait3A_130] : memref<79x128xi32, #tpu.memory_space<vmem>> -> memref<1x128xi32, #tpu.memory_space<vmem>>
    %dma_wait3A_132 = tpu.memref_squeeze %dma_wait3A_131 : memref<1x128xi32, #tpu.memory_space<vmem>> -> memref<128xi32, #tpu.memory_space<vmem>>
    %dma_wait3A_133 = arith.constant 0 : i32
    %dma_wait3A_134 = arith.constant 0 : i32
    %dma_wait3A_135 = tpu.memref_slice %arg13[%dma_wait3A_133, %dma_wait3A_134] : memref<10240x16xf32, #tpu.memory_space<vmem_shared>> -> memref<10240x16xf32, #tpu.memory_space<vmem_shared>>
    tpu.wait_indirect_dma semaphore(%arg15 : memref<!tpu.dma_semaphore, #tpu.memory_space<semaphore_mem>>) src(%arg11 : memref<128x16xf32, #tpu.memory_space<vmem>>) dst(%dma_wait3A_135 : memref<10240x16xf32, #tpu.memory_space<vmem_shared>>)
    %dma_wait3A_136 = arith.constant 76 : i32
    %dma_wait3A_137 = arith.constant 0 : i32
    %dma_wait3A_138 = tpu.memref_slice %arg7[%dma_wait3A_136, %dma_wait3A_137] : memref<79x128xi32, #tpu.memory_space<vmem>> -> memref<1x128xi32, #tpu.memory_space<vmem>>
    %dma_wait3A_139 = tpu.memref_squeeze %dma_wait3A_138 : memref<1x128xi32, #tpu.memory_space<vmem>> -> memref<128xi32, #tpu.memory_space<vmem>>
    %dma_wait3A_140 = arith.constant 0 : i32
    %dma_wait3A_141 = arith.constant 0 : i32
    %dma_wait3A_142 = tpu.memref_slice %arg13[%dma_wait3A_140, %dma_wait3A_141] : memref<10240x16xf32, #tpu.memory_space<vmem_shared>> -> memref<10240x16xf32, #tpu.memory_space<vmem_shared>>
    tpu.wait_indirect_dma semaphore(%arg15 : memref<!tpu.dma_semaphore, #tpu.memory_space<semaphore_mem>>) src(%arg8 : memref<128x16xf32, #tpu.memory_space<vmem>>) dst(%dma_wait3A_142 : memref<10240x16xf32, #tpu.memory_space<vmem_shared>>)
    %dma_wait3A_143 = arith.constant 77 : i32
    %dma_wait3A_144 = arith.constant 0 : i32
    %dma_wait3A_145 = tpu.memref_slice %arg7[%dma_wait3A_143, %dma_wait3A_144] : memref<79x128xi32, #tpu.memory_space<vmem>> -> memref<1x128xi32, #tpu.memory_space<vmem>>
    %dma_wait3A_146 = tpu.memref_squeeze %dma_wait3A_145 : memref<1x128xi32, #tpu.memory_space<vmem>> -> memref<128xi32, #tpu.memory_space<vmem>>
    %dma_wait3A_147 = arith.constant 0 : i32
    %dma_wait3A_148 = arith.constant 0 : i32
    %dma_wait3A_149 = tpu.memref_slice %arg13[%dma_wait3A_147, %dma_wait3A_148] : memref<10240x16xf32, #tpu.memory_space<vmem_shared>> -> memref<10240x16xf32, #tpu.memory_space<vmem_shared>>
    tpu.wait_indirect_dma semaphore(%arg15 : memref<!tpu.dma_semaphore, #tpu.memory_space<semaphore_mem>>) src(%arg9 : memref<128x16xf32, #tpu.memory_space<vmem>>) dst(%dma_wait3A_149 : memref<10240x16xf32, #tpu.memory_space<vmem_shared>>)
    %dma_wait3A_150 = arith.constant 78 : i32
    %dma_wait3A_151 = arith.constant 0 : i32
    %dma_wait3A_152 = tpu.memref_slice %arg7[%dma_wait3A_150, %dma_wait3A_151] : memref<79x128xi32, #tpu.memory_space<vmem>> -> memref<1x128xi32, #tpu.memory_space<vmem>>
    %dma_wait3A_153 = tpu.memref_squeeze %dma_wait3A_152 : memref<1x128xi32, #tpu.memory_space<vmem>> -> memref<128xi32, #tpu.memory_space<vmem>>
    %dma_wait3A_154 = arith.constant 0 : i32
    %dma_wait3A_155 = arith.constant 0 : i32
    %dma_wait3A_156 = tpu.memref_slice %arg13[%dma_wait3A_154, %dma_wait3A_155] : memref<10240x16xf32, #tpu.memory_space<vmem_shared>> -> memref<10240x16xf32, #tpu.memory_space<vmem_shared>>
    tpu.wait_indirect_dma semaphore(%arg15 : memref<!tpu.dma_semaphore, #tpu.memory_space<semaphore_mem>>) src(%arg10 : memref<128x16xf32, #tpu.memory_space<vmem>>) dst(%dma_wait3A_156 : memref<10240x16xf32, #tpu.memory_space<vmem_shared>>)
    %barrier3A_157 = arith.constant 0 : index
    tpu.barrier barrier_id(%barrier3A_157)
    "tpu.region"() ({
      %run_scoped3A = tpu.sem_alloc : memref<!tpu.dma_semaphore, #tpu.memory_space<semaphore_mem>>
      %dma_start3A_158 = arith.constant 0 : i32
      %dma_start3A_159 = tpu.memref_slice %arg5[%arg0, %mul3A_2, %dma_start3A_158] : memref<2x10240x16xf32, #tpu.memory_space<hbm>> -> memref<1x640x16xf32, #tpu.memory_space<hbm>>
      %dma_start3A_160 = tpu.memref_squeeze %dma_start3A_159 : memref<1x640x16xf32, #tpu.memory_space<hbm>> -> memref<640x16xf32, #tpu.memory_space<hbm>>
      %dma_start3A_161 = arith.constant 0 : i32
      %dma_start3A_162 = tpu.memref_slice %arg13[%mul3A_2, %dma_start3A_161] : memref<10240x16xf32, #tpu.memory_space<vmem_shared>> -> memref<640x16xf32, #tpu.memory_space<vmem_shared>>
      tpu.enqueue_dma source(%dma_start3A_162 : memref<640x16xf32, #tpu.memory_space<vmem_shared>>) target(%dma_start3A_160 : memref<640x16xf32, #tpu.memory_space<hbm>>) target_semaphore(%run_scoped3A : memref<!tpu.dma_semaphore, #tpu.memory_space<semaphore_mem>>)
      %dma_wait3A_163 = arith.constant 0 : i32
      %dma_wait3A_164 = tpu.memref_slice %arg5[%arg0, %mul3A_2, %dma_wait3A_163] : memref<2x10240x16xf32, #tpu.memory_space<hbm>> -> memref<1x640x16xf32, #tpu.memory_space<hbm>>
      %dma_wait3A_165 = tpu.memref_squeeze %dma_wait3A_164 : memref<1x640x16xf32, #tpu.memory_space<hbm>> -> memref<640x16xf32, #tpu.memory_space<hbm>>
      %dma_wait3A_166 = arith.constant 0 : i32
      %dma_wait3A_167 = tpu.memref_slice %arg13[%mul3A_2, %dma_wait3A_166] : memref<10240x16xf32, #tpu.memory_space<vmem_shared>> -> memref<640x16xf32, #tpu.memory_space<vmem_shared>>
      tpu.wait_dma2 semaphore(%run_scoped3A : memref<!tpu.dma_semaphore, #tpu.memory_space<semaphore_mem>>) src(%dma_wait3A_167 : memref<640x16xf32, #tpu.memory_space<vmem_shared>>) dst(%dma_wait3A_165 : memref<640x16xf32, #tpu.memory_space<hbm>>)
      tpu.yield
    }) : () -> ()
    return
  }
}

module attributes {stable_mosaic.version = 14 : i64} {
  func.func @body(%arg0: i32, %arg1: memref<2000x128xf32, #tpu.memory_space<vmem>>, %arg2: memref<128x16xf32, #tpu.memory_space<vmem>>, %arg3: memref<2000x16xf32, #tpu.memory_space<vmem>>) attributes {dimension_semantics = [#tpu.dimension_semantics<arbitrary>], iteration_bounds = array<i64: 5>, scalar_prefetch = 0 : i64, scratch_operands = 0 : i64, tpu.core_type = #tpu.core_type<tc>, window_params = [{transform_indices = @transform_0, window_bounds = array<i64: 2000, 128>}, {pipeline_mode = #tpu.pipeline_mode<synchronous>, transform_indices = @transform_1, window_bounds = array<i64: 128, 16>}, {transform_indices = @transform_2, window_bounds = array<i64: 2000, 16>}]} {
    %get3A = arith.constant 0 : index
    %get3A_0 = arith.constant 0 : index
    %get3A_1 = vector.load %arg1[%get3A, %get3A_0] : memref<2000x128xf32, #tpu.memory_space<vmem>>, vector<2000x128xf32>
    %get3A_2 = arith.constant 0 : index
    %get3A_3 = arith.constant 0 : index
    %get3A_4 = vector.load %arg2[%get3A_2, %get3A_3] : memref<128x16xf32, #tpu.memory_space<vmem>>, vector<128x16xf32>
    %dot_general3A = arith.constant dense<0.000000e+00> : vector<2000x16xf32>
    %dot_general3A_5 = tpu.matmul %get3A_1, %get3A_4, %dot_general3A {dimension_numbers = #tpu.dot_dimension_numbers<[1], [0], [0], [1], [0, 0, 1, 1], [], []>, transpose_lhs_hint = false} : vector<2000x128xf32>, vector<128x16xf32>, vector<2000x16xf32> -> vector<2000x16xf32>
    %swap3A = arith.constant 0 : index
    %swap3A_6 = arith.constant 0 : index
    %swap3A_7 = vector.load %arg3[%swap3A, %swap3A_6] : memref<2000x16xf32, #tpu.memory_space<vmem>>, vector<2000x16xf32>
    tpu.vector_store %arg3[%swap3A, %swap3A_6], %dot_general3A_5 {strides = array<i32>} : memref<2000x16xf32, #tpu.memory_space<vmem>>, vector<2000x16xf32>,
    return
  }
  func.func @transform_0(%arg0: i32) -> (i32, i32) {
    %c0_i32 = arith.constant 0 : i32
    %c0_i32_0 = arith.constant 0 : i32
    return %arg0, %c0_i32 : i32, i32
  }
  func.func @transform_1(%arg0: i32) -> (i32, i32) {
    %c0_i32 = arith.constant 0 : i32
    %c0_i32_0 = arith.constant 0 : i32
    %c0_i32_1 = arith.constant 0 : i32
    return %c0_i32, %c0_i32_0 : i32, i32
  }
  func.func @transform_2(%arg0: i32) -> (i32, i32) {
    %c0_i32 = arith.constant 0 : i32
    %c0_i32_0 = arith.constant 0 : i32
    return %arg0, %c0_i32 : i32, i32
  }
}

module attributes {stable_mosaic.version = 14 : i64} {
  func.func @body(%arg0: i32, %arg1: memref<2000x1xf32, #tpu.memory_space<vmem>>, %arg2: memref<2000x1xf32, #tpu.memory_space<vmem>>, %arg3: memref<2000x16xf32, #tpu.memory_space<vmem>>, %arg4: memref<2000x1xf32, #tpu.memory_space<vmem>>, %arg5: memref<2000x16xf32, #tpu.memory_space<vmem>>) attributes {dimension_semantics = [#tpu.dimension_semantics<arbitrary>], iteration_bounds = array<i64: 5>, scalar_prefetch = 0 : i64, scratch_operands = 0 : i64, tpu.core_type = #tpu.core_type<tc>, window_params = [{transform_indices = @transform_0, window_bounds = array<i64: 2000, 1>}, {transform_indices = @transform_1, window_bounds = array<i64: 2000, 1>}, {transform_indices = @transform_2, window_bounds = array<i64: 2000, 16>}, {transform_indices = @transform_3, window_bounds = array<i64: 2000, 1>}, {transform_indices = @transform_4, window_bounds = array<i64: 2000, 16>}]} {
    %get3A = arith.constant 0 : index
    %get3A_0 = arith.constant 0 : index
    %get3A_1 = vector.load %arg1[%get3A, %get3A_0] : memref<2000x1xf32, #tpu.memory_space<vmem>>, vector<2000x1xf32>
    %get3A_2 = arith.constant 0 : index
    %get3A_3 = arith.constant 0 : index
    %get3A_4 = vector.load %arg2[%get3A_2, %get3A_3] : memref<2000x1xf32, #tpu.memory_space<vmem>>, vector<2000x1xf32>
    %add3A = arith.addf %get3A_1, %get3A_4 : vector<2000x1xf32>
    %add3A_5 = arith.constant 1.000000e+00 : f32
    %add3A_6 = vector.broadcast %add3A_5 : f32 to vector<2000x1xf32>
    %add3A_7 = arith.addf %add3A, %add3A_6 : vector<2000x1xf32>
    %rsqrt3A = math.rsqrt %add3A_7 : vector<2000x1xf32>
    %swap3A = arith.constant 0 : index
    %swap3A_8 = arith.constant 0 : index
    %swap3A_9 = vector.load %arg4[%swap3A, %swap3A_8] : memref<2000x1xf32, #tpu.memory_space<vmem>>, vector<2000x1xf32>
    tpu.vector_store %arg4[%swap3A, %swap3A_8], %rsqrt3A {strides = array<i32>} : memref<2000x1xf32, #tpu.memory_space<vmem>>, vector<2000x1xf32>,
    %get3A_10 = arith.constant 0 : index
    %get3A_11 = arith.constant 0 : index
    %get3A_12 = vector.load %arg3[%get3A_10, %get3A_11] : memref<2000x16xf32, #tpu.memory_space<vmem>>, vector<2000x16xf32>
    %mul3A = vector.broadcast %rsqrt3A : vector<2000x1xf32> to vector<2000x16xf32>
    %mul3A_13 = arith.mulf %get3A_12, %mul3A : vector<2000x16xf32>
    %swap3A_14 = arith.constant 0 : index
    %swap3A_15 = arith.constant 0 : index
    %swap3A_16 = vector.load %arg5[%swap3A_14, %swap3A_15] : memref<2000x16xf32, #tpu.memory_space<vmem>>, vector<2000x16xf32>
    tpu.vector_store %arg5[%swap3A_14, %swap3A_15], %mul3A_13 {strides = array<i32>} : memref<2000x16xf32, #tpu.memory_space<vmem>>, vector<2000x16xf32>,
    return
  }
  func.func @transform_0(%arg0: i32) -> (i32, i32) {
    %c0_i32 = arith.constant 0 : i32
    %c0_i32_0 = arith.constant 0 : i32
    return %arg0, %c0_i32 : i32, i32
  }
  func.func @transform_1(%arg0: i32) -> (i32, i32) {
    %c0_i32 = arith.constant 0 : i32
    %c0_i32_0 = arith.constant 0 : i32
    return %arg0, %c0_i32 : i32, i32
  }
  func.func @transform_2(%arg0: i32) -> (i32, i32) {
    %c0_i32 = arith.constant 0 : i32
    %c0_i32_0 = arith.constant 0 : i32
    return %arg0, %c0_i32 : i32, i32
  }
  func.func @transform_3(%arg0: i32) -> (i32, i32) {
    %c0_i32 = arith.constant 0 : i32
    %c0_i32_0 = arith.constant 0 : i32
    return %arg0, %c0_i32 : i32, i32
  }
  func.func @transform_4(%arg0: i32) -> (i32, i32) {
    %c0_i32 = arith.constant 0 : i32
    %c0_i32_0 = arith.constant 0 : i32
    return %arg0, %c0_i32 : i32, i32
  }
}

module attributes {stable_mosaic.version = 14 : i64} {
  func.func @body(%arg0: i32, %arg1: memref<2x2000x16xf32, #tpu.memory_space<vmem>>, %arg2: memref<2000x16xf32, #tpu.memory_space<vmem>>, %arg3: memref<2000x1xf32, #tpu.memory_space<vmem>>, %arg4: memref<1x16xf32, #tpu.memory_space<vmem>>, %arg5: memref<2000x16xf32, #tpu.memory_space<vmem>>, %arg6: memref<2000x16xf32, #tpu.memory_space<vmem>>) attributes {dimension_semantics = [#tpu.dimension_semantics<arbitrary>], iteration_bounds = array<i64: 5>, scalar_prefetch = 0 : i64, scratch_operands = 0 : i64, tpu.core_type = #tpu.core_type<tc>, window_params = [{transform_indices = @transform_0, window_bounds = array<i64: 2, 2000, 16>}, {transform_indices = @transform_1, window_bounds = array<i64: 2000, 16>}, {transform_indices = @transform_2, window_bounds = array<i64: 2000, 1>}, {pipeline_mode = #tpu.pipeline_mode<synchronous>, transform_indices = @transform_3, window_bounds = array<i64: 1, 16>}, {transform_indices = @transform_4, window_bounds = array<i64: 2000, 16>}, {transform_indices = @transform_5, window_bounds = array<i64: 2000, 16>}]} {
    %get3A = arith.constant 0 : index
    %get3A_0 = arith.constant 0 : index
    %get3A_1 = arith.constant 0 : index
    %get3A_2 = vector.load %arg1[%get3A, %get3A_0, %get3A_1] : memref<2x2000x16xf32, #tpu.memory_space<vmem>>, vector<1x2000x16xf32>
    %get3A_3 = vector.shape_cast %get3A_2 : vector<1x2000x16xf32> to vector<2000x16xf32>
    %get3A_4 = arith.constant 1 : index
    %get3A_5 = arith.constant 0 : index
    %get3A_6 = arith.constant 0 : index
    %get3A_7 = vector.load %arg1[%get3A_4, %get3A_5, %get3A_6] : memref<2x2000x16xf32, #tpu.memory_space<vmem>>, vector<1x2000x16xf32>
    %get3A_8 = vector.shape_cast %get3A_7 : vector<1x2000x16xf32> to vector<2000x16xf32>
    %add3A = arith.addf %get3A_3, %get3A_8 : vector<2000x16xf32>
    %get3A_9 = arith.constant 0 : index
    %get3A_10 = arith.constant 0 : index
    %get3A_11 = vector.load %arg2[%get3A_9, %get3A_10] : memref<2000x16xf32, #tpu.memory_space<vmem>>, vector<2000x16xf32>
    %add3A_12 = arith.addf %add3A, %get3A_11 : vector<2000x16xf32>
    %get3A_13 = arith.constant 0 : index
    %get3A_14 = arith.constant 0 : index
    %get3A_15 = vector.load %arg3[%get3A_13, %get3A_14] : memref<2000x1xf32, #tpu.memory_space<vmem>>, vector<2000x1xf32>
    %mul3A = vector.broadcast %get3A_15 : vector<2000x1xf32> to vector<2000x16xf32>
    %mul3A_16 = arith.mulf %add3A_12, %mul3A : vector<2000x16xf32>
    %get3A_17 = arith.constant 0 : index
    %get3A_18 = arith.constant 0 : index
    %get3A_19 = vector.load %arg4[%get3A_17, %get3A_18] : memref<1x16xf32, #tpu.memory_space<vmem>>, vector<1x16xf32>
    %add3A_20 = vector.broadcast %get3A_19 : vector<1x16xf32> to vector<2000x16xf32>
    %add3A_21 = arith.addf %mul3A_16, %add3A_20 : vector<2000x16xf32>
    %max3A = arith.constant 0.000000e+00 : f32
    %max3A_22 = vector.broadcast %max3A : f32 to vector<2000x16xf32>
    %max3A_23 = arith.maximumf %add3A_21, %max3A_22 : vector<2000x16xf32>
    %swap3A = arith.constant 0 : index
    %swap3A_24 = arith.constant 0 : index
    %swap3A_25 = vector.load %arg5[%swap3A, %swap3A_24] : memref<2000x16xf32, #tpu.memory_space<vmem>>, vector<2000x16xf32>
    tpu.vector_store %arg5[%swap3A, %swap3A_24], %max3A_23 {strides = array<i32>} : memref<2000x16xf32, #tpu.memory_space<vmem>>, vector<2000x16xf32>,
    %get3A_26 = arith.constant 0 : index
    %get3A_27 = arith.constant 0 : index
    %get3A_28 = vector.load %arg3[%get3A_26, %get3A_27] : memref<2000x1xf32, #tpu.memory_space<vmem>>, vector<2000x1xf32>
    %mul3A_29 = vector.broadcast %get3A_28 : vector<2000x1xf32> to vector<2000x16xf32>
    %mul3A_30 = arith.mulf %max3A_23, %mul3A_29 : vector<2000x16xf32>
    %swap3A_31 = arith.constant 0 : index
    %swap3A_32 = arith.constant 0 : index
    %swap3A_33 = vector.load %arg6[%swap3A_31, %swap3A_32] : memref<2000x16xf32, #tpu.memory_space<vmem>>, vector<2000x16xf32>
    tpu.vector_store %arg6[%swap3A_31, %swap3A_32], %mul3A_30 {strides = array<i32>} : memref<2000x16xf32, #tpu.memory_space<vmem>>, vector<2000x16xf32>,
    return
  }
  func.func @transform_0(%arg0: i32) -> (i32, i32, i32) {
    %c0_i32 = arith.constant 0 : i32
    %c0_i32_0 = arith.constant 0 : i32
    %c0_i32_1 = arith.constant 0 : i32
    return %c0_i32, %arg0, %c0_i32_0 : i32, i32, i32
  }
  func.func @transform_1(%arg0: i32) -> (i32, i32) {
    %c0_i32 = arith.constant 0 : i32
    %c0_i32_0 = arith.constant 0 : i32
    return %arg0, %c0_i32 : i32, i32
  }
  func.func @transform_2(%arg0: i32) -> (i32, i32) {
    %c0_i32 = arith.constant 0 : i32
    %c0_i32_0 = arith.constant 0 : i32
    return %arg0, %c0_i32 : i32, i32
  }
  func.func @transform_3(%arg0: i32) -> (i32, i32) {
    %c0_i32 = arith.constant 0 : i32
    %c0_i32_0 = arith.constant 0 : i32
    %c0_i32_1 = arith.constant 0 : i32
    return %c0_i32, %c0_i32_0 : i32, i32
  }
  func.func @transform_4(%arg0: i32) -> (i32, i32) {
    %c0_i32 = arith.constant 0 : i32
    %c0_i32_0 = arith.constant 0 : i32
    return %arg0, %c0_i32 : i32, i32
  }
  func.func @transform_5(%arg0: i32) -> (i32, i32) {
    %c0_i32 = arith.constant 0 : i32
    %c0_i32_0 = arith.constant 0 : i32
    return %arg0, %c0_i32 : i32, i32
  }
}

module attributes {stable_mosaic.version = 14 : i64} {
  func.func @body(%arg0: i32, %arg1: memref<2x2000x16xf32, #tpu.memory_space<vmem>>, %arg2: memref<2000x16xf32, #tpu.memory_space<vmem>>, %arg3: memref<2000x1xf32, #tpu.memory_space<vmem>>, %arg4: memref<16x40xf32, #tpu.memory_space<vmem>>, %arg5: memref<1x40xf32, #tpu.memory_space<vmem>>, %arg6: memref<2000x40xf32, #tpu.memory_space<vmem>>) attributes {dimension_semantics = [#tpu.dimension_semantics<arbitrary>], iteration_bounds = array<i64: 5>, scalar_prefetch = 0 : i64, scratch_operands = 0 : i64, tpu.core_type = #tpu.core_type<tc>, window_params = [{transform_indices = @transform_0, window_bounds = array<i64: 2, 2000, 16>}, {transform_indices = @transform_1, window_bounds = array<i64: 2000, 16>}, {transform_indices = @transform_2, window_bounds = array<i64: 2000, 1>}, {pipeline_mode = #tpu.pipeline_mode<synchronous>, transform_indices = @transform_3, window_bounds = array<i64: 16, 40>}, {pipeline_mode = #tpu.pipeline_mode<synchronous>, transform_indices = @transform_4, window_bounds = array<i64: 1, 40>}, {transform_indices = @transform_5, window_bounds = array<i64: 2000, 40>}]} {
    %get3A = arith.constant 0 : index
    %get3A_0 = arith.constant 0 : index
    %get3A_1 = arith.constant 0 : index
    %get3A_2 = vector.load %arg1[%get3A, %get3A_0, %get3A_1] : memref<2x2000x16xf32, #tpu.memory_space<vmem>>, vector<1x2000x16xf32>
    %get3A_3 = vector.shape_cast %get3A_2 : vector<1x2000x16xf32> to vector<2000x16xf32>
    %get3A_4 = arith.constant 1 : index
    %get3A_5 = arith.constant 0 : index
    %get3A_6 = arith.constant 0 : index
    %get3A_7 = vector.load %arg1[%get3A_4, %get3A_5, %get3A_6] : memref<2x2000x16xf32, #tpu.memory_space<vmem>>, vector<1x2000x16xf32>
    %get3A_8 = vector.shape_cast %get3A_7 : vector<1x2000x16xf32> to vector<2000x16xf32>
    %add3A = arith.addf %get3A_3, %get3A_8 : vector<2000x16xf32>
    %get3A_9 = arith.constant 0 : index
    %get3A_10 = arith.constant 0 : index
    %get3A_11 = vector.load %arg2[%get3A_9, %get3A_10] : memref<2000x16xf32, #tpu.memory_space<vmem>>, vector<2000x16xf32>
    %add3A_12 = arith.addf %add3A, %get3A_11 : vector<2000x16xf32>
    %get3A_13 = arith.constant 0 : index
    %get3A_14 = arith.constant 0 : index
    %get3A_15 = vector.load %arg4[%get3A_13, %get3A_14] : memref<16x40xf32, #tpu.memory_space<vmem>>, vector<16x40xf32>
    %dot_general3A = arith.constant dense<0.000000e+00> : vector<2000x40xf32>
    %dot_general3A_16 = tpu.matmul %add3A_12, %get3A_15, %dot_general3A {dimension_numbers = #tpu.dot_dimension_numbers<[1], [0], [0], [1], [0, 0, 1, 1], [], []>, transpose_lhs_hint = false} : vector<2000x16xf32>, vector<16x40xf32>, vector<2000x40xf32> -> vector<2000x40xf32>
    %get3A_17 = arith.constant 0 : index
    %get3A_18 = arith.constant 0 : index
    %get3A_19 = vector.load %arg3[%get3A_17, %get3A_18] : memref<2000x1xf32, #tpu.memory_space<vmem>>, vector<2000x1xf32>
    %mul3A = vector.broadcast %get3A_19 : vector<2000x1xf32> to vector<2000x40xf32>
    %mul3A_20 = arith.mulf %dot_general3A_16, %mul3A : vector<2000x40xf32>
    %get3A_21 = arith.constant 0 : index
    %get3A_22 = arith.constant 0 : index
    %get3A_23 = vector.load %arg5[%get3A_21, %get3A_22] : memref<1x40xf32, #tpu.memory_space<vmem>>, vector<1x40xf32>
    %add3A_24 = vector.broadcast %get3A_23 : vector<1x40xf32> to vector<2000x40xf32>
    %add3A_25 = arith.addf %mul3A_20, %add3A_24 : vector<2000x40xf32>
    %swap3A = arith.constant 0 : index
    %swap3A_26 = arith.constant 0 : index
    %swap3A_27 = vector.load %arg6[%swap3A, %swap3A_26] : memref<2000x40xf32, #tpu.memory_space<vmem>>, vector<2000x40xf32>
    tpu.vector_store %arg6[%swap3A, %swap3A_26], %add3A_25 {strides = array<i32>} : memref<2000x40xf32, #tpu.memory_space<vmem>>, vector<2000x40xf32>,
    return
  }
  func.func @transform_0(%arg0: i32) -> (i32, i32, i32) {
    %c0_i32 = arith.constant 0 : i32
    %c0_i32_0 = arith.constant 0 : i32
    %c0_i32_1 = arith.constant 0 : i32
    return %c0_i32, %arg0, %c0_i32_0 : i32, i32, i32
  }
  func.func @transform_1(%arg0: i32) -> (i32, i32) {
    %c0_i32 = arith.constant 0 : i32
    %c0_i32_0 = arith.constant 0 : i32
    return %arg0, %c0_i32 : i32, i32
  }
  func.func @transform_2(%arg0: i32) -> (i32, i32) {
    %c0_i32 = arith.constant 0 : i32
    %c0_i32_0 = arith.constant 0 : i32
    return %arg0, %c0_i32 : i32, i32
  }
  func.func @transform_3(%arg0: i32) -> (i32, i32) {
    %c0_i32 = arith.constant 0 : i32
    %c0_i32_0 = arith.constant 0 : i32
    %c0_i32_1 = arith.constant 0 : i32
    return %c0_i32, %c0_i32_0 : i32, i32
  }
  func.func @transform_4(%arg0: i32) -> (i32, i32) {
    %c0_i32 = arith.constant 0 : i32
    %c0_i32_0 = arith.constant 0 : i32
    %c0_i32_1 = arith.constant 0 : i32
    return %c0_i32, %c0_i32_0 : i32, i32
  }
  func.func @transform_5(%arg0: i32) -> (i32, i32) {
    %c0_i32 = arith.constant 0 : i32
    %c0_i32_0 = arith.constant 0 : i32
    return %arg0, %c0_i32 : i32, i32
  }
}

</mosaic_0001>

<sc_bundles>
// kernel: kernel.12.cloned.1.call-start
scs
__scs_entry_jumppad:
0x0: {  	(pc) =	sbr.rel $0x88, $3  }
0x1: {  	(tag) =	ssettag $0x0;
	lr =	simm.s32 $0x1  }
0x2: {  	[smem:$0x3F9B] =	sst lr;
	_ =	strace $0xD0000000  }
0x3: {  	_ = 	snop  }
0x4: {  	_ = 	snop  }
0x5: {  	_ = 	snop  }
0x6: {  	_ = 	snop  }
0x7: {  	_ = 	snop  }
__scs_overlays_trampoline_lowered:
0x8: {  	[smem:$0x3FAA] =	sst s0  }
0x9: {  	[smem:$0x3FAB] =	sst s1  }
0xa: {  	[smem:$0x3FAC] =	sst s2  }
0xb: {  	[smem:$0x3FAD] =	sst s3  }
0xc: {  	[smem:$0x3FAE] =	sst s4  }
0xd: {  	[smem:$0x3FAF] =	sst s5  }
0xe: {  	[smem:$0x3FB0] =	sst s6  }
0xf: {  	[smem:$0x3FB1] =	sst s7  }
0x10: {  	[smem:$0x3FB2] =	sst s8  }
0x11: {  	[smem:$0x3FB3] =	sst s9;
	s0 =	simm.s32 @!p0 $0x0  }
0x12: {  	s1 =	sld [smem:$0x3F99];
	s0 =	simm.s32 @p0 $0x1  }
0x13: {  	[smem:$0x3FB4] =	sst s0;
	s0 =	simm.s32 @!p1 $0x0  }
0x14: {  	s2 =	sld [smem:$0x3F98];
	s0 =	simm.s32 @p1 $0x1  }
0x15: {  	[smem:$0x3FB5] =	sst s0;
	s0 =	simm.s32 @!p2 $0x0  }
0x16: {  	s3 =	sld [smem:$0x3FDB];
	s0 =	simm.s32 @p2 $0x1  }
0x17: {  	s4 =	simm.s32 $0x1BF5;
	[smem:$0x3FB7] =	sst s0  }
0x18: {  	s0 =	sld [smem:$0x3F9A];
	_ =	swait.ge [sflag:s4], $0x0  }
0x19: {  	s7 =	sld [smem:$0x3F9B]  }
0x1a: {  	s8 =	sadd.s32 $0xFFFFE003, lr  }
0x1b: {  	s9 =	sadd.s32 $0xFFFFFEF7, lr;
	s5 =	simm.s32 $0xFFFFFFFF;
	p2 =	slt.u32 s8, $0xFFFFF086  }
0x1c: {  	p1 =	slt.u32 s9, $0xF7A;
	s5 =	simm.s32 @!p2 $0x0  }
0x1d: {  	s5 =	simm.s32 @p1 $0x1;
	p0 =	seq.s32 s7, s2  }
0x1e: {  	s7 =	smul.u32 @!p0 $0xF7A, s2;
	p2 =	seq.s32 @!p0 s5, $0x0  }
0x1f: {  	s9 =	smul.u32 $0xF7A, s1;
	s8 =	simm.s32 @!p0 $0x1BF5;
	p2 =	por !p2, p0  }
0x20: {  	[sflag:s8] =	ssyncset.s32 @!p0 $0xFFFFF086;
	s6 =	sadd.s32 @!p0 s3, s7;
	s7 =	simm.s32 @!p0 $0x108  }
0x21: {  	s3 =	sadd.s32 s3, s9;
	s6 =	sadd.s32 @!p0 $0x88, s6;
	s7 =	simm.s32 @p2 $0x1082  }
0x22: {  	[simem:s7], [sflag:s8] =	dma.local @!p0 [hbm:s6], $0xF7A  }
0x23: {  	s9 =	sor.u32 $0xD0000000, s2;
	s6 =	simm.s32 $0x108;
	_ =	swait.ge @!p0 [sflag:s8], $0x0  }
0x24: {  	s3 =	sadd.s32 $0x88, s3;
	s6 =	simm.s32 @!p1 $0x1082;
	[sflag:s4] =	ssyncset.s32 $0xFFFFF086  }
0x25: {  	[simem:s6], [sflag:s4] =	dma.local [hbm:s3], $0xF7A  }
0x26: {  	[smem:$0x3F9B] =	sst s1;
	(tag) =	ssettag s2;
	_ =	strace s9  }
0x27: {  	s1 =	sld [smem:$0x3FAB]  }
0x28: {  	s2 =	sld [smem:$0x3FAC]  }
0x29: {  	s4 =	sld [smem:$0x3FAE]  }
0x2a: {  	p0 =	seq.s32 s5, $0x0;
	s5 =	sld [smem:$0x3FAF]  }
0x2b: {  	s6 =	sld [smem:$0x3FB0]  }
0x2c: {  	s7 =	sld [smem:$0x3FB1]  }
0x2d: {  	s3 =	simm.s32 $0x108;
	s8 =	sld [smem:$0x3FB2]  }
0x2e: {  	s3 =	simm.s32 @!p0 $0x1082;
	s9 =	sld [smem:$0x3FB3]  }
0x2f: {  	lr =	sadd.s32 s0, s3;
	s0 =	sld [smem:$0x3FAA]  }
0x30: {  	s3 =	sld [smem:$0x3FAD]  }
0x31: {  	[smem:$0x3FB6] =	sst s10  }
0x32: {  	s10 =	sld [smem:$0x3FB4];
	_ =	sdelay $0x3  }
0x33: {  	p0 =	seq.s32 s10, $0x1;
	s10 =	sld [smem:$0x3FB6];
	_ =	sdelay $0x3  }
0x34: {  	[smem:$0x3FB6] =	sst s10  }
0x35: {  	s10 =	sld [smem:$0x3FB5];
	_ =	sdelay $0x3  }
0x36: {  	p1 =	seq.s32 s10, $0x1;
	s10 =	sld [smem:$0x3FB6];
	_ =	sdelay $0x3  }
0x37: {  	[smem:$0x3FB6] =	sst s10  }
0x38: {  	s10 =	sld [smem:$0x3FB7]  }
0x39: {  	_ = 	snop;
	(pc) =	sbr.ind lr, $3  }
0x3a: {  	_ = 	snop  }
0x3b: {  	_ = 	snop  }
0x3c: {  	p2 =	seq.s32 s10, $0x1;
	s10 =	sld [smem:$0x3FB6]  }
0x3d: {  	_ =	shalt  }
0x3e: {  	_ =	shalt  }
0x3f: {  	_ =	shalt  }
0x40: {  	_ =	shalt  }
0x41: {  	_ =	shalt  }
0x42: {  	_ =	shalt  }
0x43: {  	_ =	shalt  }
0x44: {  	_ =	shalt  }
0x45: {  	_ =	shalt  }
0x46: {  	_ =	shalt  }
0x47: {  	_ =	shalt  }
0x48: {  	_ =	shalt  }
0x49: {  	_ =	shalt  }
0x4a: {  	_ =	shalt  }
0x4b: {  	_ =	shalt  }
0x4c: {  	_ =	shalt  }
0x4d: {  	_ =	shalt  }
0x4e: {  	_ =	shalt  }
0x4f: {  	_ =	shalt  }
0x50: {  	_ =	shalt  }
0x51: {  	_ =	shalt  }
0x52: {  	_ =	shalt  }
0x53: {  	_ =	shalt  }
0x54: {  	_ =	shalt  }
0x55: {  	_ =	shalt  }
0x56: {  	_ =	shalt  }
0x57: {  	_ =	shalt  }
0x58: {  	_ =	shalt  }
0x59: {  	_ =	shalt  }
0x5a: {  	_ =	shalt  }
0x5b: {  	_ =	shalt  }
0x5c: {  	_ =	shalt  }
0x5d: {  	_ =	shalt  }
0x5e: {  	_ =	shalt  }
0x5f: {  	_ =	shalt  }
0x60: {  	_ =	shalt  }
0x61: {  	_ =	shalt  }
0x62: {  	_ =	shalt  }
0x63: {  	_ =	shalt  }
0x64: {  	_ =	shalt  }
0x65: {  	_ =	shalt  }
0x66: {  	_ =	shalt  }
0x67: {  	_ =	shalt  }
0x68: {  	_ =	shalt  }
0x69: {  	_ =	shalt  }
0x6a: {  	_ =	shalt  }
0x6b: {  	_ =	shalt  }
0x6c: {  	_ =	shalt  }
0x6d: {  	_ =	shalt  }
0x6e: {  	_ =	shalt  }
0x6f: {  	_ =	shalt  }
0x70: {  	_ =	shalt  }
0x71: {  	_ =	shalt  }
0x72: {  	_ =	shalt  }
0x73: {  	_ =	shalt  }
0x74: {  	_ =	shalt  }
0x75: {  	_ =	shalt  }
0x76: {  	_ =	shalt  }
0x77: {  	_ =	shalt  }
0x78: {  	_ =	shalt  }
0x79: {  	_ =	shalt  }
0x7a: {  	_ =	shalt  }
0x7b: {  	_ =	shalt  }
0x7c: {  	_ =	shalt  }
0x7d: {  	_ =	shalt  }
0x7e: {  	_ =	shalt  }
0x7f: {  	_ =	shalt  }
0x80: {  	_ =	shalt  }
0x81: {  	_ =	shalt  }
0x82: {  	_ =	shalt  }
0x83: {  	_ =	shalt  }
0x84: {  	_ =	shalt  }
0x85: {  	_ =	shalt  }
0x86: {  	_ =	shalt  }
0x87: {  	_ =	shalt  }
.Lfunc_end0:
.L_simem_size_0:
called_computation.1_lowered:
.L_overlay_start_0:
0x88: {  	s2 =	sld [smem:$0x3FD9]  }
0x89: {  	s3 =	sld [smem:$0x3FFE];
	_ =	sdelay $0x1  }
0x8a: {  	s1 =	srdreg.scid  }
0x8b: {  	s0 =	sand.u32 $0x1, s1  }
0x8c: {  	s14 =	sshll.u32 s0, $0xA;
	s2 =	sadd.s32 s3, s2  }
0x8d: {  	s2 =	sadd.s32 s2, s14  }
0x8e: {  	[smem:$0x3FC2] =	sst s2  }
0x8f: {  	_ = 	snop  }
0x90: {  	s2 =	sld [smem:$0x3FD0];
	_ =	sdelay $0x2  }
0x91: {  	s15 =	simm.s32 $0xA;
	s4 =	simm.s32 $0x10  }
0x92: {  	[smem:s4], [sflag:s15] =	dma.local [hbm:s2], $0x1  }
0x93: {  	_ =	swait.eq [sflag:s15], $0x1  }
0x94: {  	[sflag:s15] =	ssyncset.done $0x0  }
0x95: {  	s16 =	sld [smem:$0x10];
	[sflag:s15] =	ssyncadd.s32 $0xFFFFFFFF  }
0x96: {  	s17 =	sld [smem:$0x11];
	(tm) =	ssettm $0x1  }
0x97: {  	s18 =	sld [smem:$0x3FFB];
	_ =	sdelay $0x3  }
0x98: {  	_ =	strace s18  }
0x99: {  	s4 =	sld [smem:$0x3FFC];
	_ =	sdelay $0x3  }
0x9a: {  	_ =	strace s4  }
0x9b: {  	s4 =	sld [smem:$0x3FFD];
	_ =	sdelay $0x3  }
0x9c: {  	_ =	strace s4  }
0x9d: {  	_ =	strace $0x8FFFFFFF  }
0x9e: {  	s19 =	sld [smem:$0x3FDB];
	_ =	sdelay $0x1  }
0x9f: {  	s5 =	simm.s32 $_scs_section_size  }
0xa0: {  	s6 =	simm.s32 $_size__tile_overlayer_lowered;
	s7 =	simm.s32 $_tile_overlayer_lowered  }
0xa1: {  	s22 =	simm.s32 $0x1BFF;
	s21 =	sshll.u32 s7, $0x1;
	s4 =	sadd.s32 s5, s19  }
0xa2: {  	s8 =	simm.s32 $0x0;
	s20 =	sshll.u32 s6, $0x1;
	s6 =	sadd.s32 s21, s4  }
0xa3: {  	[timem:s8], [sflag:s22] =	dma.local [hbm:s6], s20  }
0xa4: {  	_ =	swait.ge [sflag:s22], s20  }
0xa5: {  	s5 =	ssub.s32 $0x0, s20;
	[sflag:s22] =	ssyncset.done $0x0  }
0xa6: {  	[sflag:s22] =	ssyncadd.s32 s5;
	_ =	sdelay $0x1  }
0xa7: {  	s23 =	simm.s32 $0x1B8B  }
0xa8: {  	_ =	swait.ge [sflag:s23], $0x1  }
0xa9: {  	[sflag:s23] =	ssyncset.done $0x0  }
0xaa: {  	s25 =	simm.s32 $0x1B8E;
	s24 =	sld [smem:$0x3FFE];
	[sflag:s23] =	ssyncadd.s32 $0xFFFFFFFF  }
0xab: {  	s26 =	simm.s32 $execute0_lowered;
	[smem:$0x3FD2] =	sst s25  }
0xac: {  	s6 =	sshll.u32 s26, $0x1;
	_ =	strace $0x80000049;
	[dreg:$0x1] =	wrdreg $0xFFFFFFFF  }
0xad: {  	s28 =	simm.s32 $_size_execute0_lowered;
	s4 =	sadd.s32 s4, s6;
	[dreg:$0x0] =	wrdreg $0x0  }
0xae: {  	s6 =	sshll.u32 s28, $0x1;
	[dreg:$0x2] =	wrdreg s4  }
0xaf: {  	[dreg:$0x3] =	wrdreg s6  }
0xb0: {  	[dreg:$0x4] =	wrdreg $0xC0  }
0xb1: {  	_ =	task [dreg:s8], $0x5FFFF  }
0xb2: {  	[dreg:$0x1] =	wrdreg $0xFFFFFFFF  }
0xb3: {  	[dreg:$0x0] =	wrdreg $0x60  }
0xb4: {  	[dreg:$0x2] =	wrdreg s24  }
0xb5: {  	[dreg:$0x3] =	wrdreg s17  }
0xb6: {  	[dreg:$0x4] =	wrdreg s16  }
0xb7: {  	[dreg:$0x5] =	wrdreg $0x97000  }
0xb8: {  	[dreg:$0x6] =	wrdreg $0x9  }
0xb9: {  	_ =	task.clear_ibuf [dreg:s8], $0x7FFFF;
	_ =	strace $0x90000049  }
0xba: {  	s29 =	simm.s32 $0x9;
	_ =	strace $0x8000004B  }
0xbb: {  	_ =	swait.ge [sflag:s29], $0x1  }
0xbc: {  	[sflag:s29] =	ssyncadd.s32 $0xFFFFFFFF  }
0xbd: {  	_ =	strace $0x9000004B  }
0xbe: {  	_ =	sfence  }
0xbf: {  	s30 =	sld [smem:$0x0];
	_ =	sdelay $0x2  }
0xc0: {  	s31 =	sshll.u32 s1, $0xD;
	s1 =	sshrl.u32 s1, $0x2  }
0xc1: {  	s3 =	sand.u32 $0x4000, s31;
	s1 =	sadd.s32 s1, s30  }
0xc2: {  	s0 =	sor.u32 s3, s0;
	s1 =	sshll.u32 s1, $0x11  }
0xc3: {  	s0 =	sor.u32 s1, s0  }
0xc4: {  	s0 =	sadd.s32 $0x8F2B, s0  }
0xc5: {  	[sflag:s0] =	ssyncadd.remote.s32 $0x1  }
0xc6: {  	_ =	sfence.sel $0xFFFF  }
0xc7: {  	[dreg:$0x0] =	wrdreg $0xFFFFFFFF;
	(pc) =	sbr.abs _section_cstart, $3  }
0xc8: {  	[dreg:$0x1] =	wrdreg $0xFFFFFFFF  }
0xc9: {  	_ =	task.clear_ibuf [dreg:s8], $0x2FFFF;
	_ =	strace $0x9FFFFFFF  }
0xca: {  	(tm) =	ssettm $0x7FFFFFFF  }
0xcb: {  	_ =	shalt  }
tec
execute0_lowered:
.L_overlay_start_1:
0x0: {  	(tag) =	ssettag $0x1  }
0x1: {  	s0 =	rddreg [dreg:$0x0];
	s2 =	srdreg.scid  }
0x2: {  	s6 =	stileid.u32;
	s1 =	rddreg [dreg:$0x1]  }
0x3: {  	s8 =	rddreg [dreg:$0x2];
	s10 =	simm.s32 $0x2780;
	s12 =	simm.s32 $0x3  }
0x4: {  	s13 =	simm.s32 $0x1;
	s14 =	simm.s32 $0x80;
	s15 =	simm.s32 $0x4F00  }
0x5: {  	s16 =	simm.s32 $0x5700;
	s18 =	simm.s32 $0x100;
	s19 =	simm.s32 $0x5F00  }
0x6: {  	s20 =	simm.s32 $0x2880;
	s21 =	simm.s32 $0x180;
	s22 =	simm.s32 $0x6700  }
0x7: {  	s23 =	simm.s32 $0x2900;
	s28 =	simm.s32 $0x2680;
	s29 =	simm.s32 $0x4E00  }
0x8: {  	s30 =	simm.s32 $0x2700;
	s2 =	sand.u32 $0x1, s2;
	s3 =	sshll.u32 s6, $0x1  }
0x9: {  	s31 =	simm.s32 $0x4E80;
	s7 =	smul.u32 $0x2800, s6;
	s4 =	sor.u32 s2, s3  }
0xa: {  	s3 =	rddreg [dreg:$0x3];
	s24 =	ssub.s32 $0x2, s2;
	s2 =	smul.u32 $0x28000, s2  }
0xb: {  	s5 =	smul.u32 $0x4F0, s4;
	s4 =	simm.s32 $0x0;
	s25 =	sshrl.u32 s24, $0x1  }
0xc: {  	[smem:$0x7FF] =	sst s4;
	s9 =	ssub.s32 s24, s25;
	s2 =	sadd.s32 s7, s2  }
0xd: {  	s7 =	sadd.s32 s7, s3;
	s24 =	simm.s32 $0x2;
	s25 =	simm.s32 $0x2600  }
0xe: {  	_ =	strace $0x8000004A;
	s0 =	sadd.s32 s5, s0;
	s26 =	sshrl.u32 s2, $0x3  }
0xf: {  	s9 =	smax.u32 s9, $0x1;
	s2 =	simm.s32 $0x0;
	s5 =	sadd.s32 $0x1C00, s0  }
0x10: {  	v0 =	vimm.f32 $0.0e+00;
	s6 =	sadd.s32 $0xBA00, s0;
	s8 =	sadd.s32 s8, s26;
	s26 =	simm.s32 $0x4D80  }
.LBB2_1:
0x11: {  	[tilespmem:s4], [sflag:$0x1] =	stream.linear.gather [hbm4b:s5+s4], $0x2780, $0x38;
	[tilespmem:$0xBF00] =	vst v63  }
0x12: {  	s0 =	simm.s32 $0x40;
	s11 =	simm.s32 $0x0  }
0x13: {  	[tilespmem:s10], [sflag:$0x1] =	stream.linear.gather [hbm4b:s6+s4], $0x2780, $0x38;
	[tilespmem:$0xBF00] =	vst v63  }
.LBB2_2:
0x14: {  	p0 =	sne.s32 s0, $0x9FC0;
	[tilespmem:s11+$0x6F00] =	vst v0;
	s11 =	smov.u32 s0;
	s0 =	sadd.s32 $0x40, s0  }
.Ltmp0:
0x15: {  	(pc) =	sbr.rel @p0 .LBB2_2-.Ltmp0, $2  }
0x16: {  	_ =	sdelay $0x2  }
0x17: {  	s11 =	sshra.s32 s11, $0x2  }
0x18: {  	[tilespmem:s11+$0x6F00] =	vst v0;
	s0 =	simm.s32 $0x6F00  }
0x19: {  	[spmem:s7] =	stream.linear.scatter [tilespmem:s0], [sflag:$0x3], $0x2800, $0x38;
	[tilespmem:$0xBF00] =	vst v63  }
0x1a: {  	_ =	swait.ge [sflag:s12], $0x2800  }
0x1b: {  	[sflag:s12] =	ssyncset.done $0x0  }
0x1c: {  	[sflag:s12] =	ssyncadd.s32 $0xFFFFD800  }
0x1d: {  	[bflag:$0x0] =	sbarrier.arrive $0xFFFF  }
0x1e: {  	_ =	swait.ge [sflag:s13], $0x2780  }
0x1f: {  	[sflag:s13] =	ssyncset.done $0x0  }
0x20: {  	[sflag:s13] =	ssyncadd.s32 $0xFFFFD880  }
0x21: {  	_ =	swait.ge [sflag:s13], $0x2780  }
0x22: {  	[sflag:s13] =	ssyncset.done $0x0  }
0x23: {  	s17 =	simm.s32 $0x0;
	[sflag:s13] =	ssyncadd.s32 $0xFFFFD880  }
0x24: {  	[tilespmem:s15], [sflag:$0x1] =	stream.indirect.gather [hbm4b:s1+s14], $0x10, s17, s14, $0xb8;
	[tilespmem:$0xBF00] =	vst v63  }
0x25: {  	_ =	swait.ge [sflag:s13], $0x800  }
0x26: {  	[sflag:s13] =	ssyncset.done $0x0  }
0x27: {  	[sflag:s13] =	ssyncadd.s32 $0xFFFFF800  }
0x28: {  	[spmem:s3] =	stream.indirect.scatter.add.f32 [tilespmem:s15], [sflag:$0x2], $0x10, s10, s14, $0xb8;
	[tilespmem:$0xBF00] =	vst v63  }
0x29: {  	_ = 	snop  }
0x2a: {  	[tilespmem:s16], [sflag:$0x1] =	stream.indirect.gather [hbm4b:s1+s14], $0x10, s14, s14, $0xb8;
	[tilespmem:$0xBF00] =	vst v63  }
0x2b: {  	_ =	swait.ge [sflag:s13], $0x800  }
0x2c: {  	[sflag:s13] =	ssyncset.done $0x0  }
0x2d: {  	s11 =	simm.s32 $0x2800;
	[sflag:s13] =	ssyncadd.s32 $0xFFFFF800  }
0x2e: {  	[spmem:s3] =	stream.indirect.scatter.add.f32 [tilespmem:s16], [sflag:$0x2], $0x10, s11, s14, $0xb8;
	[tilespmem:$0xBF00] =	vst v63  }
0x2f: {  	_ = 	snop  }
0x30: {  	[tilespmem:s19], [sflag:$0x1] =	stream.indirect.gather [hbm4b:s1+s14], $0x10, s18, s14, $0xb8;
	[tilespmem:$0xBF00] =	vst v63  }
0x31: {  	_ =	swait.ge [sflag:s13], $0x800  }
0x32: {  	[sflag:s13] =	ssyncset.done $0x0  }
0x33: {  	[sflag:s13] =	ssyncadd.s32 $0xFFFFF800  }
0x34: {  	[spmem:s3] =	stream.indirect.scatter.add.f32 [tilespmem:s19], [sflag:$0x2], $0x10, s20, s14, $0xb8;
	[tilespmem:$0xBF00] =	vst v63  }
0x35: {  	_ = 	snop  }
0x36: {  	[tilespmem:s22], [sflag:$0x1] =	stream.indirect.gather [hbm4b:s1+s14], $0x10, s21, s14, $0xb8;
	[tilespmem:$0xBF00] =	vst v63  }
0x37: {  	_ =	swait.ge [sflag:s13], $0x800  }
0x38: {  	[sflag:s13] =	ssyncset.done $0x0  }
0x39: {  	[sflag:s13] =	ssyncadd.s32 $0xFFFFF800  }
0x3a: {  	[spmem:s3] =	stream.indirect.scatter.add.f32 [tilespmem:s22], [sflag:$0x2], $0x10, s23, s14, $0xb8;
	[tilespmem:$0xBF00] =	vst v63  }
0x3b: {  	_ =	swait.ge [sflag:s24], $0x800  }
0x3c: {  	[sflag:s24] =	ssyncset.done $0x0  }
0x3d: {  	s17 =	simm.s32 $0x200;
	[sflag:s24] =	ssyncadd.s32 $0xFFFFF800  }
0x3e: {  	[tilespmem:s15], [sflag:$0x1] =	stream.indirect.gather [hbm4b:s1+s14], $0x10, s17, s14, $0xb8;
	[tilespmem:$0xBF00] =	vst v63  }
0x3f: {  	_ =	swait.ge [sflag:s13], $0x800  }
0x40: {  	[sflag:s13] =	ssyncset.done $0x0  }
0x41: {  	s11 =	simm.s32 $0x2980;
	[sflag:s13] =	ssyncadd.s32 $0xFFFFF800  }
0x42: {  	[spmem:s3] =	stream.indirect.scatter.add.f32 [tilespmem:s15], [sflag:$0x2], $0x10, s11, s14, $0xb8;
	[tilespmem:$0xBF00] =	vst v63  }
0x43: {  	_ =	swait.ge [sflag:s24], $0x800  }
0x44: {  	[sflag:s24] =	ssyncset.done $0x0  }
0x45: {  	s17 =	simm.s32 $0x280;
	[sflag:s24] =	ssyncadd.s32 $0xFFFFF800  }
0x46: {  	[tilespmem:s16], [sflag:$0x1] =	stream.indirect.gather [hbm4b:s1+s14], $0x10, s17, s14, $0xb8;
	[tilespmem:$0xBF00] =	vst v63  }
0x47: {  	_ =	swait.ge [sflag:s13], $0x800  }
0x48: {  	[sflag:s13] =	ssyncset.done $0x0  }
0x49: {  	s11 =	simm.s32 $0x2A00;
	[sflag:s13] =	ssyncadd.s32 $0xFFFFF800  }
0x4a: {  	[spmem:s3] =	stream.indirect.scatter.add.f32 [tilespmem:s16], [sflag:$0x2], $0x10, s11, s14, $0xb8;
	[tilespmem:$0xBF00] =	vst v63  }
0x4b: {  	_ =	swait.ge [sflag:s24], $0x800  }
0x4c: {  	[sflag:s24] =	ssyncset.done $0x0  }
0x4d: {  	s17 =	simm.s32 $0x300;
	[sflag:s24] =	ssyncadd.s32 $0xFFFFF800  }
0x4e: {  	[tilespmem:s19], [sflag:$0x1] =	stream.indirect.gather [hbm4b:s1+s14], $0x10, s17, s14, $0xb8;
	[tilespmem:$0xBF00] =	vst v63  }
0x4f: {  	_ =	swait.ge [sflag:s13], $0x800  }
0x50: {  	[sflag:s13] =	ssyncset.done $0x0  }
0x51: {  	s11 =	simm.s32 $0x2A80;
	[sflag:s13] =	ssyncadd.s32 $0xFFFFF800  }
0x52: {  	[spmem:s3] =	stream.indirect.scatter.add.f32 [tilespmem:s19], [sflag:$0x2], $0x10, s11, s14, $0xb8;
	[tilespmem:$0xBF00] =	vst v63  }
0x53: {  	_ =	swait.ge [sflag:s24], $0x800  }
0x54: {  	[sflag:s24] =	ssyncset.done $0x0  }
0x55: {  	s17 =	simm.s32 $0x380;
	[sflag:s24] =	ssyncadd.s32 $0xFFFFF800  }
0x56: {  	[tilespmem:s22], [sflag:$0x1] =	stream.indirect.gather [hbm4b:s1+s14], $0x10, s17, s14, $0xb8;
	[tilespmem:$0xBF00] =	vst v63  }
0x57: {  	_ =	swait.ge [sflag:s13], $0x800  }
0x58: {  	[sflag:s13] =	ssyncset.done $0x0  }
0x59: {  	s0 =	simm.s32 $0x800;
	s11 =	simm.s32 $0x2B00;
	[sflag:s13] =	ssyncadd.s32 $0xFFFFF800  }
.LBB2_4:
0x5a: {  	[spmem:s3] =	stream.indirect.scatter.add.f32 [tilespmem:s22], [sflag:$0x2], $0x10, s11, s14, $0xb8;
	[tilespmem:$0xBF00] =	vst v63  }
0x5b: {  	s11 =	smov.u32 s0  }
0x5c: {  	p0 =	sne.s32 s0, $0x8800;
	s0 =	sadd.s32 $0x800, s0;
	_ =	swait.ge [sflag:s24], $0x800  }
0x5d: {  	s11 =	sshra.s32 s11, $0x2;
	[sflag:s24] =	ssyncset.done $0x0  }
0x5e: {  	s17 =	sadd.s32 $0x200, s11;
	[sflag:s24] =	ssyncadd.s32 $0xFFFFF800  }
0x5f: {  	[tilespmem:s15], [sflag:$0x1] =	stream.indirect.gather [hbm4b:s1+s14], $0x10, s17, s14, $0xb8;
	[tilespmem:$0xBF00] =	vst v63  }
0x60: {  	_ =	swait.ge [sflag:s13], $0x800  }
0x61: {  	[sflag:s13] =	ssyncset.done $0x0  }
0x62: {  	s17 =	sadd.s32 $0x2980, s11;
	[sflag:s13] =	ssyncadd.s32 $0xFFFFF800  }
0x63: {  	[spmem:s3] =	stream.indirect.scatter.add.f32 [tilespmem:s15], [sflag:$0x2], $0x10, s17, s14, $0xb8;
	[tilespmem:$0xBF00] =	vst v63  }
0x64: {  	_ =	swait.ge [sflag:s24], $0x800  }
0x65: {  	[sflag:s24] =	ssyncset.done $0x0  }
0x66: {  	s17 =	sadd.s32 $0x280, s11;
	[sflag:s24] =	ssyncadd.s32 $0xFFFFF800  }
0x67: {  	[tilespmem:s16], [sflag:$0x1] =	stream.indirect.gather [hbm4b:s1+s14], $0x10, s17, s14, $0xb8;
	[tilespmem:$0xBF00] =	vst v63  }
0x68: {  	_ =	swait.ge [sflag:s13], $0x800  }
0x69: {  	[sflag:s13] =	ssyncset.done $0x0  }
0x6a: {  	s17 =	sadd.s32 $0x2A00, s11;
	[sflag:s13] =	ssyncadd.s32 $0xFFFFF800  }
0x6b: {  	[spmem:s3] =	stream.indirect.scatter.add.f32 [tilespmem:s16], [sflag:$0x2], $0x10, s17, s14, $0xb8;
	[tilespmem:$0xBF00] =	vst v63  }
0x6c: {  	_ =	swait.ge [sflag:s24], $0x800  }
0x6d: {  	[sflag:s24] =	ssyncset.done $0x0  }
0x6e: {  	s17 =	sadd.s32 $0x300, s11;
	[sflag:s24] =	ssyncadd.s32 $0xFFFFF800  }
0x6f: {  	[tilespmem:s19], [sflag:$0x1] =	stream.indirect.gather [hbm4b:s1+s14], $0x10, s17, s14, $0xb8;
	[tilespmem:$0xBF00] =	vst v63  }
0x70: {  	_ =	swait.ge [sflag:s13], $0x800  }
0x71: {  	[sflag:s13] =	ssyncset.done $0x0  }
0x72: {  	s17 =	sadd.s32 $0x2A80, s11;
	[sflag:s13] =	ssyncadd.s32 $0xFFFFF800  }
0x73: {  	[spmem:s3] =	stream.indirect.scatter.add.f32 [tilespmem:s19], [sflag:$0x2], $0x10, s17, s14, $0xb8;
	[tilespmem:$0xBF00] =	vst v63  }
0x74: {  	_ =	swait.ge [sflag:s24], $0x800  }
0x75: {  	[sflag:s24] =	ssyncset.done $0x0  }
.Ltmp1:
0x76: {  	s17 =	sadd.s32 $0x380, s11;
	[sflag:s24] =	ssyncadd.s32 $0xFFFFF800;
	(pc) =	sbr.rel @p0 .LBB2_4-.Ltmp1, $4  }
0x77: {  	[tilespmem:s22], [sflag:$0x1] =	stream.indirect.gather [hbm4b:s1+s14], $0x10, s17, s14, $0xb8;
	[tilespmem:$0xBF00] =	vst v63  }
0x78: {  	_ =	swait.ge [sflag:s13], $0x800  }
0x79: {  	[sflag:s13] =	ssyncset.done $0x0  }
0x7a: {  	s11 =	sadd.s32 $0x2B00, s11;
	[sflag:s13] =	ssyncadd.s32 $0xFFFFF800  }
0x7b: {  	[spmem:s3] =	stream.indirect.scatter.add.f32 [tilespmem:s22], [sflag:$0x2], $0x10, s11, s14, $0xb8;
	[tilespmem:$0xBF00] =	vst v63  }
0x7c: {  	_ =	swait.ge [sflag:s24], $0x800  }
0x7d: {  	[sflag:s24] =	ssyncset.done $0x0  }
0x7e: {  	[sflag:s24] =	ssyncadd.s32 $0xFFFFF800  }
0x7f: {  	[tilespmem:s15], [sflag:$0x1] =	stream.indirect.gather [hbm4b:s1+s14], $0x10, s25, s14, $0xb8;
	[tilespmem:$0xBF00] =	vst v63  }
0x80: {  	_ =	swait.ge [sflag:s13], $0x800  }
0x81: {  	[sflag:s13] =	ssyncset.done $0x0  }
0x82: {  	[sflag:s13] =	ssyncadd.s32 $0xFFFFF800  }
0x83: {  	[spmem:s3] =	stream.indirect.scatter.add.f32 [tilespmem:s15], [sflag:$0x2], $0x10, s26, s14, $0xb8;
	[tilespmem:$0xBF00] =	vst v63  }
0x84: {  	_ =	swait.ge [sflag:s24], $0x800  }
0x85: {  	[sflag:s24] =	ssyncset.done $0x0  }
0x86: {  	[sflag:s24] =	ssyncadd.s32 $0xFFFFF800  }
0x87: {  	[tilespmem:s16], [sflag:$0x1] =	stream.indirect.gather [hbm4b:s1+s14], $0x10, s28, s14, $0xb8;
	[tilespmem:$0xBF00] =	vst v63  }
0x88: {  	_ =	swait.ge [sflag:s13], $0x800  }
0x89: {  	[sflag:s13] =	ssyncset.done $0x0  }
0x8a: {  	[sflag:s13] =	ssyncadd.s32 $0xFFFFF800  }
0x8b: {  	[spmem:s3] =	stream.indirect.scatter.add.f32 [tilespmem:s16], [sflag:$0x2], $0x10, s29, s14, $0xb8;
	[tilespmem:$0xBF00] =	vst v63  }
0x8c: {  	_ =	swait.ge [sflag:s24], $0x800  }
0x8d: {  	[sflag:s24] =	ssyncset.done $0x0  }
0x8e: {  	[sflag:s24] =	ssyncadd.s32 $0xFFFFF800  }
0x8f: {  	[tilespmem:s19], [sflag:$0x1] =	stream.indirect.gather [hbm4b:s1+s14], $0x10, s30, s14, $0xb8;
	[tilespmem:$0xBF00] =	vst v63  }
0x90: {  	_ =	swait.ge [sflag:s13], $0x800  }
0x91: {  	[sflag:s13] =	ssyncset.done $0x0  }
0x92: {  	[sflag:s13] =	ssyncadd.s32 $0xFFFFF800  }
0x93: {  	[spmem:s3] =	stream.indirect.scatter.add.f32 [tilespmem:s19], [sflag:$0x2], $0x10, s31, s14, $0xb8;
	[tilespmem:$0xBF00] =	vst v63  }
0x94: {  	_ =	swait.ge [sflag:s24], $0x800  }
0x95: {  	[sflag:s24] =	ssyncset.done $0x0  }
0x96: {  	[sflag:s24] =	ssyncadd.s32 $0xFFFFF800  }
0x97: {  	_ =	swait.ge [sflag:s24], $0x800  }
0x98: {  	[sflag:s24] =	ssyncset.done $0x0  }
0x99: {  	[sflag:s24] =	ssyncadd.s32 $0xFFFFF800  }
0x9a: {  	_ =	swait.ge [sflag:s24], $0x800  }
0x9b: {  	[sflag:s24] =	ssyncset.done $0x0  }
0x9c: {  	[sflag:s24] =	ssyncadd.s32 $0xFFFFF800  }
0x9d: {  	s0 =	stileid.u32;
	_ =	swait.ge [sflag:s24], $0x800  }
0x9e: {  	s17 =	sshrl.u32 s7, $0x3;
	s2 =	sadd.s32 $0x1, s2;
	[sflag:s24] =	ssyncset.done $0x0  }
0x9f: {  	s0 =	sshll.u32 s0, $0x6;
	p0 =	sne.s32 s2, s9;
	[sflag:s24] =	ssyncadd.s32 $0xFFFFF800  }
.Ltmp2:
0xa0: {  	s0 =	sor.u32 $0x1C03, s0;
	[bflag:$0x0] =	sbarrier.arrive $0xFFFF;
	(pc) =	sbr.rel @p0 .LBB2_1-.Ltmp2, $4  }
0xa1: {  	[hbm:s8], [sflag:s0] =	dma.local [spmem:s17], $0x500  }
0xa2: {  	_ =	swait.ge [sflag:s12], $0x500  }
0xa3: {  	[sflag:s12] =	ssyncset.done $0x0  }
0xa4: {  	[sflag:s12] =	ssyncadd.s32 $0xFFFFFB00  }
0xa5: {  	_ =	sfence.sel $0x180000  }
0xa6: {  	[bflag:$0x0] =	sbarrier.arrive $0xFFFF  }
0xa7: {  	_ =	strace $0x9000004A  }
0xa8: {  	s0 =	stileid.u32;
	[bflag:$0x2] =	sbarrier.arrive $0xFFFF  }
0xa9: {  	p0 =	sne.s32 s0, $0x0;
	s0 =	rddreg [dreg:$0x4]  }
0xaa: {  	s0 =	sadd.s32 @!p0 $0x100000, s0  }
0xab: {  	[sflag:s0] =	ssyncadd.tile.s32 @!p0 $0x1;
	_ =	shalt  }
.Lfunc_end2:
_tile_overlayer_lowered:
.L_overlay_start_2:
0xac: {  	(tag) =	ssettag $0x2  }
0xad: {  	s0 =	rddreg [dreg:$0x0];
	s2 =	stileid.u32  }
0xae: {  	s1 =	rddreg [dreg:$0x1];
	p0 =	sne.s32 s2, $0x0  }
0xaf: {  	s3 =	rddreg [dreg:$0x2];
	[bflag:$0x3] =	sbarrier.arrive $0xFFFF;
	s2 =	simm.s32 @!p0 $0x1C03  }
0xb0: {  	[timem:s3], [sflag:s2] =	dma.local @!p0 [hbm:s0], s1  }
0xb1: {  	s0 =	simm.s32 @!p0 $0x3  }
0xb2: {  	_ =	swait.ge @!p0 [sflag:s0], s1  }
0xb3: {  	s1 =	ssub.s32 @!p0 $0x0, s1;
	[sflag:s0] =	ssyncset.done @!p0 $0x0  }
0xb4: {  	[sflag:s0] =	ssyncadd.s32 @!p0 s1  }
0xb5: {  	[bflag:$0x3] =	sbarrier.arrive $0xFFFF  }
0xb6: {  	_ =	shalt  }

// kernel: kernel.15.cloned.1.call-start
scs
__scs_entry_jumppad:
0x0: {  	(pc) =	sbr.rel $0x88, $3  }
0x1: {  	(tag) =	ssettag $0x0;
	lr =	simm.s32 $0x1  }
0x2: {  	[smem:$0x3F9B] =	sst lr;
	_ =	strace $0xD0000000  }
0x3: {  	_ = 	snop  }
0x4: {  	_ = 	snop  }
0x5: {  	_ = 	snop  }
0x6: {  	_ = 	snop  }
0x7: {  	_ = 	snop  }
__scs_overlays_trampoline_lowered:
0x8: {  	[smem:$0x3FAA] =	sst s0  }
0x9: {  	[smem:$0x3FAB] =	sst s1  }
0xa: {  	[smem:$0x3FAC] =	sst s2  }
0xb: {  	[smem:$0x3FAD] =	sst s3  }
0xc: {  	[smem:$0x3FAE] =	sst s4  }
0xd: {  	[smem:$0x3FAF] =	sst s5  }
0xe: {  	[smem:$0x3FB0] =	sst s6  }
0xf: {  	[smem:$0x3FB1] =	sst s7  }
0x10: {  	[smem:$0x3FB2] =	sst s8  }
0x11: {  	[smem:$0x3FB3] =	sst s9;
	s0 =	simm.s32 @!p0 $0x0  }
0x12: {  	s1 =	sld [smem:$0x3F99];
	s0 =	simm.s32 @p0 $0x1  }
0x13: {  	[smem:$0x3FB4] =	sst s0;
	s0 =	simm.s32 @!p1 $0x0  }
0x14: {  	s2 =	sld [smem:$0x3F98];
	s0 =	simm.s32 @p1 $0x1  }
0x15: {  	[smem:$0x3FB5] =	sst s0;
	s0 =	simm.s32 @!p2 $0x0  }
0x16: {  	s3 =	sld [smem:$0x3FDB];
	s0 =	simm.s32 @p2 $0x1  }
0x17: {  	s4 =	simm.s32 $0x1BF5;
	[smem:$0x3FB7] =	sst s0  }
0x18: {  	s0 =	sld [smem:$0x3F9A];
	_ =	swait.ge [sflag:s4], $0x0  }
0x19: {  	s7 =	sld [smem:$0x3F9B]  }
0x1a: {  	s8 =	sadd.s32 $0xFFFFE003, lr  }
0x1b: {  	s9 =	sadd.s32 $0xFFFFFEF7, lr;
	s5 =	simm.s32 $0xFFFFFFFF;
	p2 =	slt.u32 s8, $0xFFFFF086  }
0x1c: {  	p1 =	slt.u32 s9, $0xF7A;
	s5 =	simm.s32 @!p2 $0x0  }
0x1d: {  	s5 =	simm.s32 @p1 $0x1;
	p0 =	seq.s32 s7, s2  }
0x1e: {  	s7 =	smul.u32 @!p0 $0xF7A, s2;
	p2 =	seq.s32 @!p0 s5, $0x0  }
0x1f: {  	s9 =	smul.u32 $0xF7A, s1;
	s8 =	simm.s32 @!p0 $0x1BF5;
	p2 =	por !p2, p0  }
0x20: {  	[sflag:s8] =	ssyncset.s32 @!p0 $0xFFFFF086;
	s6 =	sadd.s32 @!p0 s3, s7;
	s7 =	simm.s32 @!p0 $0x108  }
0x21: {  	s3 =	sadd.s32 s3, s9;
	s6 =	sadd.s32 @!p0 $0x88, s6;
	s7 =	simm.s32 @p2 $0x1082  }
0x22: {  	[simem:s7], [sflag:s8] =	dma.local @!p0 [hbm:s6], $0xF7A  }
0x23: {  	s9 =	sor.u32 $0xD0000000, s2;
	s6 =	simm.s32 $0x108;
	_ =	swait.ge @!p0 [sflag:s8], $0x0  }
0x24: {  	s3 =	sadd.s32 $0x88, s3;
	s6 =	simm.s32 @!p1 $0x1082;
	[sflag:s4] =	ssyncset.s32 $0xFFFFF086  }
0x25: {  	[simem:s6], [sflag:s4] =	dma.local [hbm:s3], $0xF7A  }
0x26: {  	[smem:$0x3F9B] =	sst s1;
	(tag) =	ssettag s2;
	_ =	strace s9  }
0x27: {  	s1 =	sld [smem:$0x3FAB]  }
0x28: {  	s2 =	sld [smem:$0x3FAC]  }
0x29: {  	s4 =	sld [smem:$0x3FAE]  }
0x2a: {  	p0 =	seq.s32 s5, $0x0;
	s5 =	sld [smem:$0x3FAF]  }
0x2b: {  	s6 =	sld [smem:$0x3FB0]  }
0x2c: {  	s7 =	sld [smem:$0x3FB1]  }
0x2d: {  	s3 =	simm.s32 $0x108;
	s8 =	sld [smem:$0x3FB2]  }
0x2e: {  	s3 =	simm.s32 @!p0 $0x1082;
	s9 =	sld [smem:$0x3FB3]  }
0x2f: {  	lr =	sadd.s32 s0, s3;
	s0 =	sld [smem:$0x3FAA]  }
0x30: {  	s3 =	sld [smem:$0x3FAD]  }
0x31: {  	[smem:$0x3FB6] =	sst s10  }
0x32: {  	s10 =	sld [smem:$0x3FB4];
	_ =	sdelay $0x3  }
0x33: {  	p0 =	seq.s32 s10, $0x1;
	s10 =	sld [smem:$0x3FB6];
	_ =	sdelay $0x3  }
0x34: {  	[smem:$0x3FB6] =	sst s10  }
0x35: {  	s10 =	sld [smem:$0x3FB5];
	_ =	sdelay $0x3  }
0x36: {  	p1 =	seq.s32 s10, $0x1;
	s10 =	sld [smem:$0x3FB6];
	_ =	sdelay $0x3  }
0x37: {  	[smem:$0x3FB6] =	sst s10  }
0x38: {  	s10 =	sld [smem:$0x3FB7]  }
0x39: {  	_ = 	snop;
	(pc) =	sbr.ind lr, $3  }
0x3a: {  	_ = 	snop  }
0x3b: {  	_ = 	snop  }
0x3c: {  	p2 =	seq.s32 s10, $0x1;
	s10 =	sld [smem:$0x3FB6]  }
0x3d: {  	_ =	shalt  }
0x3e: {  	_ =	shalt  }
0x3f: {  	_ =	shalt  }
0x40: {  	_ =	shalt  }
0x41: {  	_ =	shalt  }
0x42: {  	_ =	shalt  }
0x43: {  	_ =	shalt  }
0x44: {  	_ =	shalt  }
0x45: {  	_ =	shalt  }
0x46: {  	_ =	shalt  }
0x47: {  	_ =	shalt  }
0x48: {  	_ =	shalt  }
0x49: {  	_ =	shalt  }
0x4a: {  	_ =	shalt  }
0x4b: {  	_ =	shalt  }
0x4c: {  	_ =	shalt  }
0x4d: {  	_ =	shalt  }
0x4e: {  	_ =	shalt  }
0x4f: {  	_ =	shalt  }
0x50: {  	_ =	shalt  }
0x51: {  	_ =	shalt  }
0x52: {  	_ =	shalt  }
0x53: {  	_ =	shalt  }
0x54: {  	_ =	shalt  }
0x55: {  	_ =	shalt  }
0x56: {  	_ =	shalt  }
0x57: {  	_ =	shalt  }
0x58: {  	_ =	shalt  }
0x59: {  	_ =	shalt  }
0x5a: {  	_ =	shalt  }
0x5b: {  	_ =	shalt  }
0x5c: {  	_ =	shalt  }
0x5d: {  	_ =	shalt  }
0x5e: {  	_ =	shalt  }
0x5f: {  	_ =	shalt  }
0x60: {  	_ =	shalt  }
0x61: {  	_ =	shalt  }
0x62: {  	_ =	shalt  }
0x63: {  	_ =	shalt  }
0x64: {  	_ =	shalt  }
0x65: {  	_ =	shalt  }
0x66: {  	_ =	shalt  }
0x67: {  	_ =	shalt  }
0x68: {  	_ =	shalt  }
0x69: {  	_ =	shalt  }
0x6a: {  	_ =	shalt  }
0x6b: {  	_ =	shalt  }
0x6c: {  	_ =	shalt  }
0x6d: {  	_ =	shalt  }
0x6e: {  	_ =	shalt  }
0x6f: {  	_ =	shalt  }
0x70: {  	_ =	shalt  }
0x71: {  	_ =	shalt  }
0x72: {  	_ =	shalt  }
0x73: {  	_ =	shalt  }
0x74: {  	_ =	shalt  }
0x75: {  	_ =	shalt  }
0x76: {  	_ =	shalt  }
0x77: {  	_ =	shalt  }
0x78: {  	_ =	shalt  }
0x79: {  	_ =	shalt  }
0x7a: {  	_ =	shalt  }
0x7b: {  	_ =	shalt  }
0x7c: {  	_ =	shalt  }
0x7d: {  	_ =	shalt  }
0x7e: {  	_ =	shalt  }
0x7f: {  	_ =	shalt  }
0x80: {  	_ =	shalt  }
0x81: {  	_ =	shalt  }
0x82: {  	_ =	shalt  }
0x83: {  	_ =	shalt  }
0x84: {  	_ =	shalt  }
0x85: {  	_ =	shalt  }
0x86: {  	_ =	shalt  }
0x87: {  	_ =	shalt  }
.Lfunc_end0:
.L_simem_size_0:
called_computation.2_lowered:
.L_overlay_start_0:
0x88: {  	s2 =	sld [smem:$0x3FD9]  }
0x89: {  	s3 =	sld [smem:$0x3FFE];
	_ =	sdelay $0x1  }
0x8a: {  	s1 =	srdreg.scid  }
0x8b: {  	s0 =	sand.u32 $0x1, s1  }
0x8c: {  	s14 =	sshll.u32 s0, $0xA;
	s2 =	sadd.s32 s3, s2  }
0x8d: {  	s2 =	sadd.s32 s2, s14  }
0x8e: {  	[smem:$0x3FC2] =	sst s2  }
0x8f: {  	_ = 	snop  }
0x90: {  	s2 =	sld [smem:$0x3FD0];
	_ =	sdelay $0x2  }
0x91: {  	s15 =	simm.s32 $0xA;
	s4 =	simm.s32 $0x10  }
0x92: {  	[smem:s4], [sflag:s15] =	dma.local [hbm:s2], $0x1  }
0x93: {  	_ =	swait.eq [sflag:s15], $0x1  }
0x94: {  	[sflag:s15] =	ssyncset.done $0x0  }
0x95: {  	[sflag:s15] =	ssyncadd.s32 $0xFFFFFFFF  }
0x96: {  	s16 =	sld [smem:$0x10];
	(tm) =	ssettm $0x1  }
0x97: {  	s17 =	sld [smem:$0x3FFB];
	_ =	sdelay $0x3  }
0x98: {  	_ =	strace s17  }
0x99: {  	s3 =	sld [smem:$0x3FFC];
	_ =	sdelay $0x3  }
0x9a: {  	_ =	strace s3  }
0x9b: {  	s3 =	sld [smem:$0x3FFD];
	_ =	sdelay $0x3  }
0x9c: {  	_ =	strace s3  }
0x9d: {  	_ =	strace $0x8FFFFFFF  }
0x9e: {  	s18 =	sld [smem:$0x3FDB];
	_ =	sdelay $0x1  }
0x9f: {  	s19 =	simm.s32 $_scs_section_size  }
0xa0: {  	s5 =	simm.s32 $_size__tile_overlayer_lowered;
	s6 =	simm.s32 $_tile_overlayer_lowered  }
0xa1: {  	s22 =	simm.s32 $0x1BFF;
	s21 =	sshll.u32 s6, $0x1;
	s3 =	sadd.s32 s19, s18  }
0xa2: {  	s7 =	simm.s32 $0x0;
	s20 =	sshll.u32 s5, $0x1;
	s5 =	sadd.s32 s21, s3  }
0xa3: {  	[timem:s7], [sflag:s22] =	dma.local [hbm:s5], s20  }
0xa4: {  	_ =	swait.ge [sflag:s22], s20  }
0xa5: {  	s4 =	ssub.s32 $0x0, s20;
	[sflag:s22] =	ssyncset.done $0x0  }
0xa6: {  	[sflag:s22] =	ssyncadd.s32 s4;
	_ =	sdelay $0x1  }
0xa7: {  	s23 =	simm.s32 $0x1B8B  }
0xa8: {  	_ =	swait.ge [sflag:s23], $0x1  }
0xa9: {  	[sflag:s23] =	ssyncset.done $0x0  }
0xaa: {  	s25 =	simm.s32 $0x1B8E;
	s24 =	sld [smem:$0x3FFE];
	[sflag:s23] =	ssyncadd.s32 $0xFFFFFFFF  }
0xab: {  	s26 =	simm.s32 $execute0_lowered;
	[smem:$0x3FD2] =	sst s25  }
0xac: {  	s5 =	sshll.u32 s26, $0x1;
	_ =	strace $0x8000004C;
	[dreg:$0x1] =	wrdreg $0xFFFFFFFF  }
0xad: {  	s28 =	simm.s32 $_size_execute0_lowered;
	s3 =	sadd.s32 s3, s5;
	[dreg:$0x0] =	wrdreg $0x0  }
0xae: {  	s5 =	sshll.u32 s28, $0x1;
	[dreg:$0x2] =	wrdreg s3  }
0xaf: {  	[dreg:$0x3] =	wrdreg s5  }
0xb0: {  	[dreg:$0x4] =	wrdreg $0xC0  }
0xb1: {  	_ =	task [dreg:s7], $0x5FFFF  }
0xb2: {  	[dreg:$0x1] =	wrdreg $0xFFFFFFFF  }
0xb3: {  	[dreg:$0x0] =	wrdreg $0x60  }
0xb4: {  	[dreg:$0x2] =	wrdreg s24  }
0xb5: {  	[dreg:$0x3] =	wrdreg s16  }
0xb6: {  	[dreg:$0x4] =	wrdreg $0x97000  }
0xb7: {  	[dreg:$0x5] =	wrdreg $0x9  }
0xb8: {  	_ =	task.clear_ibuf [dreg:s7], $0x6FFFF;
	_ =	strace $0x9000004C  }
0xb9: {  	s29 =	simm.s32 $0x9;
	_ =	strace $0x8000004E  }
0xba: {  	_ =	swait.ge [sflag:s29], $0x1  }
0xbb: {  	[sflag:s29] =	ssyncadd.s32 $0xFFFFFFFF  }
0xbc: {  	_ =	strace $0x9000004E  }
0xbd: {  	_ =	sfence  }
0xbe: {  	s30 =	sld [smem:$0x0];
	_ =	sdelay $0x2  }
0xbf: {  	s31 =	sshll.u32 s1, $0xD;
	s1 =	sshrl.u32 s1, $0x2  }
0xc0: {  	s3 =	sand.u32 $0x4000, s31;
	s1 =	sadd.s32 s1, s30  }
0xc1: {  	s0 =	sor.u32 s3, s0;
	s1 =	sshll.u32 s1, $0x11  }
0xc2: {  	s0 =	sor.u32 s1, s0  }
0xc3: {  	s0 =	sadd.s32 $0x8F2B, s0  }
0xc4: {  	[sflag:s0] =	ssyncadd.remote.s32 $0x1  }
0xc5: {  	_ =	sfence.sel $0xFFFF  }
0xc6: {  	[dreg:$0x0] =	wrdreg $0xFFFFFFFF;
	(pc) =	sbr.abs _section_cstart, $3  }
0xc7: {  	[dreg:$0x1] =	wrdreg $0xFFFFFFFF  }
0xc8: {  	_ =	task.clear_ibuf [dreg:s7], $0x2FFFF;
	_ =	strace $0x9FFFFFFF  }
0xc9: {  	(tm) =	ssettm $0x7FFFFFFF  }
tec
execute0_lowered:
.L_overlay_start_1:
0x0: {  	(tag) =	ssettag $0x1  }
0x1: {  	s0 =	rddreg [dreg:$0x0];
	s1 =	srdreg.scid  }
0x2: {  	s5 =	stileid.u32;
	s8 =	rddreg [dreg:$0x1]  }
0x3: {  	s2 =	rddreg [dreg:$0x2];
	s10 =	simm.s32 $0x2780;
	s12 =	simm.s32 $0x3  }
0x4: {  	s13 =	simm.s32 $0x1;
	s14 =	simm.s32 $0x80;
	s15 =	simm.s32 $0x4F00  }
0x5: {  	s16 =	simm.s32 $0x5700;
	s18 =	simm.s32 $0x100;
	s19 =	simm.s32 $0x5F00  }
0x6: {  	s20 =	simm.s32 $0x2880;
	s21 =	simm.s32 $0x180;
	s22 =	simm.s32 $0x6700  }
0x7: {  	s23 =	simm.s32 $0x2900;
	s24 =	simm.s32 $0x2;
	s28 =	simm.s32 $0x2680  }
0x8: {  	s29 =	simm.s32 $0x4E00;
	s1 =	sand.u32 $0x1, s1;
	s3 =	sshll.u32 s5, $0x1  }
0x9: {  	s30 =	simm.s32 $0x2700;
	s7 =	smul.u32 $0x2800, s5;
	s4 =	sor.u32 s1, s3  }
0xa: {  	s3 =	simm.s32 $0x0;
	s25 =	ssub.s32 $0x2, s1;
	s1 =	smul.u32 $0x28000, s1  }
0xb: {  	s31 =	simm.s32 $0x4E80;
	s4 =	smul.u32 $0x4F0, s4;
	[smem:$0x7FF] =	sst s3  }
0xc: {  	s26 =	sshrl.u32 s25, $0x1;
	_ =	strace $0x8000004D;
	s1 =	sadd.s32 s7, s1  }
0xd: {  	s7 =	sadd.s32 s7, s2;
	s6 =	sadd.s32 s4, s0;
	s4 =	sadd.s32 $0x15800, s0  }
0xe: {  	s0 =	ssub.s32 s25, s26;
	s1 =	sshrl.u32 s1, $0x3;
	s25 =	simm.s32 $0x2600  }
0xf: {  	s26 =	simm.s32 $0x4D80;
	s5 =	sadd.s32 $0x1C00, s6;
	s6 =	sadd.s32 $0xBA00, s6  }
0x10: {  	v0 =	vimm.f32 $0.0e+00;
	s8 =	sadd.s32 s8, s1;
	s9 =	smax.u32 s0, $0x1;
	s1 =	simm.s32 $0x0  }
.LBB2_1:
0x11: {  	[tilespmem:s3], [sflag:$0x1] =	stream.linear.gather [hbm4b:s5+s3], $0x2780, $0x38;
	[tilespmem:$0xBF00] =	vst v63  }
0x12: {  	s0 =	simm.s32 $0x40;
	s11 =	simm.s32 $0x0  }
0x13: {  	[tilespmem:s10], [sflag:$0x1] =	stream.linear.gather [hbm4b:s6+s3], $0x2780, $0x38;
	[tilespmem:$0xBF00] =	vst v63  }
.LBB2_2:
0x14: {  	p0 =	sne.s32 s0, $0x9FC0;
	[tilespmem:s11+$0x6F00] =	vst v0;
	s11 =	smov.u32 s0;
	s0 =	sadd.s32 $0x40, s0  }
.Ltmp0:
0x15: {  	(pc) =	sbr.rel @p0 .LBB2_2-.Ltmp0, $2  }
0x16: {  	_ =	sdelay $0x2  }
0x17: {  	s11 =	sshra.s32 s11, $0x2  }
0x18: {  	[tilespmem:s11+$0x6F00] =	vst v0;
	s0 =	simm.s32 $0x6F00  }
0x19: {  	[spmem:s7] =	stream.linear.scatter [tilespmem:s0], [sflag:$0x3], $0x2800, $0x38;
	[tilespmem:$0xBF00] =	vst v63  }
0x1a: {  	_ =	swait.ge [sflag:s12], $0x2800  }
0x1b: {  	[sflag:s12] =	ssyncset.done $0x0  }
0x1c: {  	[sflag:s12] =	ssyncadd.s32 $0xFFFFD800  }
0x1d: {  	[bflag:$0x0] =	sbarrier.arrive $0xFFFF  }
0x1e: {  	_ =	swait.ge [sflag:s13], $0x2780  }
0x1f: {  	[sflag:s13] =	ssyncset.done $0x0  }
0x20: {  	[sflag:s13] =	ssyncadd.s32 $0xFFFFD880  }
0x21: {  	_ =	swait.ge [sflag:s13], $0x2780  }
0x22: {  	[sflag:s13] =	ssyncset.done $0x0  }
0x23: {  	s17 =	simm.s32 $0x0;
	[sflag:s13] =	ssyncadd.s32 $0xFFFFD880  }
0x24: {  	[tilespmem:s15], [sflag:$0x1] =	stream.indirect.gather [hbm4b:s4+s14], $0x10, s17, s14, $0xb8;
	[tilespmem:$0xBF00] =	vst v63  }
0x25: {  	_ =	swait.ge [sflag:s13], $0x800  }
0x26: {  	[sflag:s13] =	ssyncset.done $0x0  }
0x27: {  	[sflag:s13] =	ssyncadd.s32 $0xFFFFF800  }
0x28: {  	[spmem:s2] =	stream.indirect.scatter.add.f32 [tilespmem:s15], [sflag:$0x2], $0x10, s10, s14, $0xb8;
	[tilespmem:$0xBF00] =	vst v63  }
0x29: {  	_ = 	snop  }
0x2a: {  	[tilespmem:s16], [sflag:$0x1] =	stream.indirect.gather [hbm4b:s4+s14], $0x10, s14, s14, $0xb8;
	[tilespmem:$0xBF00] =	vst v63  }
0x2b: {  	_ =	swait.ge [sflag:s13], $0x800  }
0x2c: {  	[sflag:s13] =	ssyncset.done $0x0  }
0x2d: {  	s11 =	simm.s32 $0x2800;
	[sflag:s13] =	ssyncadd.s32 $0xFFFFF800  }
0x2e: {  	[spmem:s2] =	stream.indirect.scatter.add.f32 [tilespmem:s16], [sflag:$0x2], $0x10, s11, s14, $0xb8;
	[tilespmem:$0xBF00] =	vst v63  }
0x2f: {  	_ = 	snop  }
0x30: {  	[tilespmem:s19], [sflag:$0x1] =	stream.indirect.gather [hbm4b:s4+s14], $0x10, s18, s14, $0xb8;
	[tilespmem:$0xBF00] =	vst v63  }
0x31: {  	_ =	swait.ge [sflag:s13], $0x800  }
0x32: {  	[sflag:s13] =	ssyncset.done $0x0  }
0x33: {  	[sflag:s13] =	ssyncadd.s32 $0xFFFFF800  }
0x34: {  	[spmem:s2] =	stream.indirect.scatter.add.f32 [tilespmem:s19], [sflag:$0x2], $0x10, s20, s14, $0xb8;
	[tilespmem:$0xBF00] =	vst v63  }
0x35: {  	_ = 	snop  }
0x36: {  	[tilespmem:s22], [sflag:$0x1] =	stream.indirect.gather [hbm4b:s4+s14], $0x10, s21, s14, $0xb8;
	[tilespmem:$0xBF00] =	vst v63  }
0x37: {  	_ =	swait.ge [sflag:s13], $0x800  }
0x38: {  	[sflag:s13] =	ssyncset.done $0x0  }
0x39: {  	[sflag:s13] =	ssyncadd.s32 $0xFFFFF800  }
0x3a: {  	[spmem:s2] =	stream.indirect.scatter.add.f32 [tilespmem:s22], [sflag:$0x2], $0x10, s23, s14, $0xb8;
	[tilespmem:$0xBF00] =	vst v63  }
0x3b: {  	_ =	swait.ge [sflag:s24], $0x800  }
0x3c: {  	[sflag:s24] =	ssyncset.done $0x0  }
0x3d: {  	s17 =	simm.s32 $0x200;
	[sflag:s24] =	ssyncadd.s32 $0xFFFFF800  }
0x3e: {  	[tilespmem:s15], [sflag:$0x1] =	stream.indirect.gather [hbm4b:s4+s14], $0x10, s17, s14, $0xb8;
	[tilespmem:$0xBF00] =	vst v63  }
0x3f: {  	_ =	swait.ge [sflag:s13], $0x800  }
0x40: {  	[sflag:s13] =	ssyncset.done $0x0  }
0x41: {  	s11 =	simm.s32 $0x2980;
	[sflag:s13] =	ssyncadd.s32 $0xFFFFF800  }
0x42: {  	[spmem:s2] =	stream.indirect.scatter.add.f32 [tilespmem:s15], [sflag:$0x2], $0x10, s11, s14, $0xb8;
	[tilespmem:$0xBF00] =	vst v63  }
0x43: {  	_ =	swait.ge [sflag:s24], $0x800  }
0x44: {  	[sflag:s24] =	ssyncset.done $0x0  }
0x45: {  	s17 =	simm.s32 $0x280;
	[sflag:s24] =	ssyncadd.s32 $0xFFFFF800  }
0x46: {  	[tilespmem:s16], [sflag:$0x1] =	stream.indirect.gather [hbm4b:s4+s14], $0x10, s17, s14, $0xb8;
	[tilespmem:$0xBF00] =	vst v63  }
0x47: {  	_ =	swait.ge [sflag:s13], $0x800  }
0x48: {  	[sflag:s13] =	ssyncset.done $0x0  }
0x49: {  	s11 =	simm.s32 $0x2A00;
	[sflag:s13] =	ssyncadd.s32 $0xFFFFF800  }
0x4a: {  	[spmem:s2] =	stream.indirect.scatter.add.f32 [tilespmem:s16], [sflag:$0x2], $0x10, s11, s14, $0xb8;
	[tilespmem:$0xBF00] =	vst v63  }
0x4b: {  	_ =	swait.ge [sflag:s24], $0x800  }
0x4c: {  	[sflag:s24] =	ssyncset.done $0x0  }
0x4d: {  	s17 =	simm.s32 $0x300;
	[sflag:s24] =	ssyncadd.s32 $0xFFFFF800  }
0x4e: {  	[tilespmem:s19], [sflag:$0x1] =	stream.indirect.gather [hbm4b:s4+s14], $0x10, s17, s14, $0xb8;
	[tilespmem:$0xBF00] =	vst v63  }
0x4f: {  	_ =	swait.ge [sflag:s13], $0x800  }
0x50: {  	[sflag:s13] =	ssyncset.done $0x0  }
0x51: {  	s11 =	simm.s32 $0x2A80;
	[sflag:s13] =	ssyncadd.s32 $0xFFFFF800  }
0x52: {  	[spmem:s2] =	stream.indirect.scatter.add.f32 [tilespmem:s19], [sflag:$0x2], $0x10, s11, s14, $0xb8;
	[tilespmem:$0xBF00] =	vst v63  }
0x53: {  	_ =	swait.ge [sflag:s24], $0x800  }
0x54: {  	[sflag:s24] =	ssyncset.done $0x0  }
0x55: {  	s17 =	simm.s32 $0x380;
	[sflag:s24] =	ssyncadd.s32 $0xFFFFF800  }
0x56: {  	[tilespmem:s22], [sflag:$0x1] =	stream.indirect.gather [hbm4b:s4+s14], $0x10, s17, s14, $0xb8;
	[tilespmem:$0xBF00] =	vst v63  }
0x57: {  	_ =	swait.ge [sflag:s13], $0x800  }
0x58: {  	[sflag:s13] =	ssyncset.done $0x0  }
0x59: {  	s0 =	simm.s32 $0x800;
	s11 =	simm.s32 $0x2B00;
	[sflag:s13] =	ssyncadd.s32 $0xFFFFF800  }
.LBB2_4:
0x5a: {  	[spmem:s2] =	stream.indirect.scatter.add.f32 [tilespmem:s22], [sflag:$0x2], $0x10, s11, s14, $0xb8;
	[tilespmem:$0xBF00] =	vst v63  }
0x5b: {  	s11 =	smov.u32 s0  }
0x5c: {  	p0 =	sne.s32 s0, $0x8800;
	s0 =	sadd.s32 $0x800, s0;
	_ =	swait.ge [sflag:s24], $0x800  }
0x5d: {  	s11 =	sshra.s32 s11, $0x2;
	[sflag:s24] =	ssyncset.done $0x0  }
0x5e: {  	s17 =	sadd.s32 $0x200, s11;
	[sflag:s24] =	ssyncadd.s32 $0xFFFFF800  }
0x5f: {  	[tilespmem:s15], [sflag:$0x1] =	stream.indirect.gather [hbm4b:s4+s14], $0x10, s17, s14, $0xb8;
	[tilespmem:$0xBF00] =	vst v63  }
0x60: {  	_ =	swait.ge [sflag:s13], $0x800  }
0x61: {  	[sflag:s13] =	ssyncset.done $0x0  }
0x62: {  	s17 =	sadd.s32 $0x2980, s11;
	[sflag:s13] =	ssyncadd.s32 $0xFFFFF800  }
0x63: {  	[spmem:s2] =	stream.indirect.scatter.add.f32 [tilespmem:s15], [sflag:$0x2], $0x10, s17, s14, $0xb8;
	[tilespmem:$0xBF00] =	vst v63  }
0x64: {  	_ =	swait.ge [sflag:s24], $0x800  }
0x65: {  	[sflag:s24] =	ssyncset.done $0x0  }
0x66: {  	s17 =	sadd.s32 $0x280, s11;
	[sflag:s24] =	ssyncadd.s32 $0xFFFFF800  }
0x67: {  	[tilespmem:s16], [sflag:$0x1] =	stream.indirect.gather [hbm4b:s4+s14], $0x10, s17, s14, $0xb8;
	[tilespmem:$0xBF00] =	vst v63  }
0x68: {  	_ =	swait.ge [sflag:s13], $0x800  }
0x69: {  	[sflag:s13] =	ssyncset.done $0x0  }
0x6a: {  	s17 =	sadd.s32 $0x2A00, s11;
	[sflag:s13] =	ssyncadd.s32 $0xFFFFF800  }
0x6b: {  	[spmem:s2] =	stream.indirect.scatter.add.f32 [tilespmem:s16], [sflag:$0x2], $0x10, s17, s14, $0xb8;
	[tilespmem:$0xBF00] =	vst v63  }
0x6c: {  	_ =	swait.ge [sflag:s24], $0x800  }
0x6d: {  	[sflag:s24] =	ssyncset.done $0x0  }
0x6e: {  	s17 =	sadd.s32 $0x300, s11;
	[sflag:s24] =	ssyncadd.s32 $0xFFFFF800  }
0x6f: {  	[tilespmem:s19], [sflag:$0x1] =	stream.indirect.gather [hbm4b:s4+s14], $0x10, s17, s14, $0xb8;
	[tilespmem:$0xBF00] =	vst v63  }
0x70: {  	_ =	swait.ge [sflag:s13], $0x800  }
0x71: {  	[sflag:s13] =	ssyncset.done $0x0  }
0x72: {  	s17 =	sadd.s32 $0x2A80, s11;
	[sflag:s13] =	ssyncadd.s32 $0xFFFFF800  }
0x73: {  	[spmem:s2] =	stream.indirect.scatter.add.f32 [tilespmem:s19], [sflag:$0x2], $0x10, s17, s14, $0xb8;
	[tilespmem:$0xBF00] =	vst v63  }
0x74: {  	_ =	swait.ge [sflag:s24], $0x800  }
0x75: {  	[sflag:s24] =	ssyncset.done $0x0  }
.Ltmp1:
0x76: {  	s17 =	sadd.s32 $0x380, s11;
	[sflag:s24] =	ssyncadd.s32 $0xFFFFF800;
	(pc) =	sbr.rel @p0 .LBB2_4-.Ltmp1, $4  }
0x77: {  	[tilespmem:s22], [sflag:$0x1] =	stream.indirect.gather [hbm4b:s4+s14], $0x10, s17, s14, $0xb8;
	[tilespmem:$0xBF00] =	vst v63  }
0x78: {  	_ =	swait.ge [sflag:s13], $0x800  }
0x79: {  	[sflag:s13] =	ssyncset.done $0x0  }
0x7a: {  	s11 =	sadd.s32 $0x2B00, s11;
	[sflag:s13] =	ssyncadd.s32 $0xFFFFF800  }
0x7b: {  	[spmem:s2] =	stream.indirect.scatter.add.f32 [tilespmem:s22], [sflag:$0x2], $0x10, s11, s14, $0xb8;
	[tilespmem:$0xBF00] =	vst v63  }
0x7c: {  	_ =	swait.ge [sflag:s24], $0x800  }
0x7d: {  	[sflag:s24] =	ssyncset.done $0x0  }
0x7e: {  	[sflag:s24] =	ssyncadd.s32 $0xFFFFF800  }
0x7f: {  	[tilespmem:s15], [sflag:$0x1] =	stream.indirect.gather [hbm4b:s4+s14], $0x10, s25, s14, $0xb8;
	[tilespmem:$0xBF00] =	vst v63  }
0x80: {  	_ =	swait.ge [sflag:s13], $0x800  }
0x81: {  	[sflag:s13] =	ssyncset.done $0x0  }
0x82: {  	[sflag:s13] =	ssyncadd.s32 $0xFFFFF800  }
0x83: {  	[spmem:s2] =	stream.indirect.scatter.add.f32 [tilespmem:s15], [sflag:$0x2], $0x10, s26, s14, $0xb8;
	[tilespmem:$0xBF00] =	vst v63  }
0x84: {  	_ =	swait.ge [sflag:s24], $0x800  }
0x85: {  	[sflag:s24] =	ssyncset.done $0x0  }
0x86: {  	[sflag:s24] =	ssyncadd.s32 $0xFFFFF800  }
0x87: {  	[tilespmem:s16], [sflag:$0x1] =	stream.indirect.gather [hbm4b:s4+s14], $0x10, s28, s14, $0xb8;
	[tilespmem:$0xBF00] =	vst v63  }
0x88: {  	_ =	swait.ge [sflag:s13], $0x800  }
0x89: {  	[sflag:s13] =	ssyncset.done $0x0  }
0x8a: {  	[sflag:s13] =	ssyncadd.s32 $0xFFFFF800  }
0x8b: {  	[spmem:s2] =	stream.indirect.scatter.add.f32 [tilespmem:s16], [sflag:$0x2], $0x10, s29, s14, $0xb8;
	[tilespmem:$0xBF00] =	vst v63  }
0x8c: {  	_ =	swait.ge [sflag:s24], $0x800  }
0x8d: {  	[sflag:s24] =	ssyncset.done $0x0  }
0x8e: {  	[sflag:s24] =	ssyncadd.s32 $0xFFFFF800  }
0x8f: {  	[tilespmem:s19], [sflag:$0x1] =	stream.indirect.gather [hbm4b:s4+s14], $0x10, s30, s14, $0xb8;
	[tilespmem:$0xBF00] =	vst v63  }
0x90: {  	_ =	swait.ge [sflag:s13], $0x800  }
0x91: {  	[sflag:s13] =	ssyncset.done $0x0  }
0x92: {  	[sflag:s13] =	ssyncadd.s32 $0xFFFFF800  }
0x93: {  	[spmem:s2] =	stream.indirect.scatter.add.f32 [tilespmem:s19], [sflag:$0x2], $0x10, s31, s14, $0xb8;
	[tilespmem:$0xBF00] =	vst v63  }
0x94: {  	_ =	swait.ge [sflag:s24], $0x800  }
0x95: {  	[sflag:s24] =	ssyncset.done $0x0  }
0x96: {  	[sflag:s24] =	ssyncadd.s32 $0xFFFFF800  }
0x97: {  	_ =	swait.ge [sflag:s24], $0x800  }
0x98: {  	[sflag:s24] =	ssyncset.done $0x0  }
0x99: {  	[sflag:s24] =	ssyncadd.s32 $0xFFFFF800  }
0x9a: {  	_ =	swait.ge [sflag:s24], $0x800  }
0x9b: {  	[sflag:s24] =	ssyncset.done $0x0  }
0x9c: {  	[sflag:s24] =	ssyncadd.s32 $0xFFFFF800  }
0x9d: {  	s0 =	stileid.u32;
	_ =	swait.ge [sflag:s24], $0x800  }
0x9e: {  	s17 =	sshrl.u32 s7, $0x3;
	s1 =	sadd.s32 $0x1, s1;
	[sflag:s24] =	ssyncset.done $0x0  }
0x9f: {  	s0 =	sshll.u32 s0, $0x6;
	p0 =	sne.s32 s1, s9;
	[sflag:s24] =	ssyncadd.s32 $0xFFFFF800  }
.Ltmp2:
0xa0: {  	s0 =	sor.u32 $0x1C03, s0;
	[bflag:$0x0] =	sbarrier.arrive $0xFFFF;
	(pc) =	sbr.rel @p0 .LBB2_1-.Ltmp2, $4  }
0xa1: {  	[hbm:s8], [sflag:s0] =	dma.local [spmem:s17], $0x500  }
0xa2: {  	_ =	swait.ge [sflag:s12], $0x500  }
0xa3: {  	[sflag:s12] =	ssyncset.done $0x0  }
0xa4: {  	[sflag:s12] =	ssyncadd.s32 $0xFFFFFB00  }
0xa5: {  	_ =	sfence.sel $0x180000  }
0xa6: {  	[bflag:$0x0] =	sbarrier.arrive $0xFFFF  }
0xa7: {  	_ =	strace $0x9000004D  }
0xa8: {  	s0 =	stileid.u32;
	[bflag:$0x2] =	sbarrier.arrive $0xFFFF  }
0xa9: {  	p0 =	sne.s32 s0, $0x0;
	s0 =	rddreg [dreg:$0x3]  }
0xaa: {  	s0 =	sadd.s32 @!p0 $0x100000, s0  }
0xab: {  	[sflag:s0] =	ssyncadd.tile.s32 @!p0 $0x1;
	_ =	shalt  }
.Lfunc_end2:
_tile_overlayer_lowered:
.L_overlay_start_2:
0xac: {  	(tag) =	ssettag $0x2  }
0xad: {  	s0 =	rddreg [dreg:$0x0];
	s2 =	stileid.u32  }
0xae: {  	s1 =	rddreg [dreg:$0x1];
	p0 =	sne.s32 s2, $0x0  }
0xaf: {  	s3 =	rddreg [dreg:$0x2];
	[bflag:$0x3] =	sbarrier.arrive $0xFFFF;
	s2 =	simm.s32 @!p0 $0x1C03  }
0xb0: {  	[timem:s3], [sflag:s2] =	dma.local @!p0 [hbm:s0], s1  }
0xb1: {  	s0 =	simm.s32 @!p0 $0x3  }
0xb2: {  	_ =	swait.ge @!p0 [sflag:s0], s1  }
0xb3: {  	s1 =	ssub.s32 @!p0 $0x0, s1;
	[sflag:s0] =	ssyncset.done @!p0 $0x0  }
0xb4: {  	[sflag:s0] =	ssyncadd.s32 @!p0 s1  }
0xb5: {  	[bflag:$0x3] =	sbarrier.arrive $0xFFFF  }
0xb6: {  	_ =	shalt  }

// kernel: kernel.9.cloned.1.call-start
scs
__scs_entry_jumppad:
0x0: {  	(pc) =	sbr.rel $0x88, $3  }
0x1: {  	(tag) =	ssettag $0x0;
	lr =	simm.s32 $0x1  }
0x2: {  	[smem:$0x3F9B] =	sst lr;
	_ =	strace $0xD0000000  }
0x3: {  	_ = 	snop  }
0x4: {  	_ = 	snop  }
0x5: {  	_ = 	snop  }
0x6: {  	_ = 	snop  }
0x7: {  	_ = 	snop  }
__scs_overlays_trampoline_lowered:
0x8: {  	[smem:$0x3FAA] =	sst s0  }
0x9: {  	[smem:$0x3FAB] =	sst s1  }
0xa: {  	[smem:$0x3FAC] =	sst s2  }
0xb: {  	[smem:$0x3FAD] =	sst s3  }
0xc: {  	[smem:$0x3FAE] =	sst s4  }
0xd: {  	[smem:$0x3FAF] =	sst s5  }
0xe: {  	[smem:$0x3FB0] =	sst s6  }
0xf: {  	[smem:$0x3FB1] =	sst s7  }
0x10: {  	[smem:$0x3FB2] =	sst s8  }
0x11: {  	[smem:$0x3FB3] =	sst s9;
	s0 =	simm.s32 @!p0 $0x0  }
0x12: {  	s1 =	sld [smem:$0x3F99];
	s0 =	simm.s32 @p0 $0x1  }
0x13: {  	[smem:$0x3FB4] =	sst s0;
	s0 =	simm.s32 @!p1 $0x0  }
0x14: {  	s2 =	sld [smem:$0x3F98];
	s0 =	simm.s32 @p1 $0x1  }
0x15: {  	[smem:$0x3FB5] =	sst s0;
	s0 =	simm.s32 @!p2 $0x0  }
0x16: {  	s3 =	sld [smem:$0x3FDB];
	s0 =	simm.s32 @p2 $0x1  }
0x17: {  	s4 =	simm.s32 $0x1BF5;
	[smem:$0x3FB7] =	sst s0  }
0x18: {  	s0 =	sld [smem:$0x3F9A];
	_ =	swait.ge [sflag:s4], $0x0  }
0x19: {  	s7 =	sld [smem:$0x3F9B]  }
0x1a: {  	s8 =	sadd.s32 $0xFFFFE003, lr  }
0x1b: {  	s9 =	sadd.s32 $0xFFFFFEF7, lr;
	s5 =	simm.s32 $0xFFFFFFFF;
	p2 =	slt.u32 s8, $0xFFFFF086  }
0x1c: {  	p1 =	slt.u32 s9, $0xF7A;
	s5 =	simm.s32 @!p2 $0x0  }
0x1d: {  	s5 =	simm.s32 @p1 $0x1;
	p0 =	seq.s32 s7, s2  }
0x1e: {  	s7 =	smul.u32 @!p0 $0xF7A, s2;
	p2 =	seq.s32 @!p0 s5, $0x0  }
0x1f: {  	s9 =	smul.u32 $0xF7A, s1;
	s8 =	simm.s32 @!p0 $0x1BF5;
	p2 =	por !p2, p0  }
0x20: {  	[sflag:s8] =	ssyncset.s32 @!p0 $0xFFFFF086;
	s6 =	sadd.s32 @!p0 s3, s7;
	s7 =	simm.s32 @!p0 $0x108  }
0x21: {  	s3 =	sadd.s32 s3, s9;
	s6 =	sadd.s32 @!p0 $0x88, s6;
	s7 =	simm.s32 @p2 $0x1082  }
0x22: {  	[simem:s7], [sflag:s8] =	dma.local @!p0 [hbm:s6], $0xF7A  }
0x23: {  	s9 =	sor.u32 $0xD0000000, s2;
	s6 =	simm.s32 $0x108;
	_ =	swait.ge @!p0 [sflag:s8], $0x0  }
0x24: {  	s3 =	sadd.s32 $0x88, s3;
	s6 =	simm.s32 @!p1 $0x1082;
	[sflag:s4] =	ssyncset.s32 $0xFFFFF086  }
0x25: {  	[simem:s6], [sflag:s4] =	dma.local [hbm:s3], $0xF7A  }
0x26: {  	[smem:$0x3F9B] =	sst s1;
	(tag) =	ssettag s2;
	_ =	strace s9  }
0x27: {  	s1 =	sld [smem:$0x3FAB]  }
0x28: {  	s2 =	sld [smem:$0x3FAC]  }
0x29: {  	s4 =	sld [smem:$0x3FAE]  }
0x2a: {  	p0 =	seq.s32 s5, $0x0;
	s5 =	sld [smem:$0x3FAF]  }
0x2b: {  	s6 =	sld [smem:$0x3FB0]  }
0x2c: {  	s7 =	sld [smem:$0x3FB1]  }
0x2d: {  	s3 =	simm.s32 $0x108;
	s8 =	sld [smem:$0x3FB2]  }
0x2e: {  	s3 =	simm.s32 @!p0 $0x1082;
	s9 =	sld [smem:$0x3FB3]  }
0x2f: {  	lr =	sadd.s32 s0, s3;
	s0 =	sld [smem:$0x3FAA]  }
0x30: {  	s3 =	sld [smem:$0x3FAD]  }
0x31: {  	[smem:$0x3FB6] =	sst s10  }
0x32: {  	s10 =	sld [smem:$0x3FB4];
	_ =	sdelay $0x3  }
0x33: {  	p0 =	seq.s32 s10, $0x1;
	s10 =	sld [smem:$0x3FB6];
	_ =	sdelay $0x3  }
0x34: {  	[smem:$0x3FB6] =	sst s10  }
0x35: {  	s10 =	sld [smem:$0x3FB5];
	_ =	sdelay $0x3  }
0x36: {  	p1 =	seq.s32 s10, $0x1;
	s10 =	sld [smem:$0x3FB6];
	_ =	sdelay $0x3  }
0x37: {  	[smem:$0x3FB6] =	sst s10  }
0x38: {  	s10 =	sld [smem:$0x3FB7]  }
0x39: {  	_ = 	snop;
	(pc) =	sbr.ind lr, $3  }
0x3a: {  	_ = 	snop  }
0x3b: {  	_ = 	snop  }
0x3c: {  	p2 =	seq.s32 s10, $0x1;
	s10 =	sld [smem:$0x3FB6]  }
0x3d: {  	_ =	shalt  }
0x3e: {  	_ =	shalt  }
0x3f: {  	_ =	shalt  }
0x40: {  	_ =	shalt  }
0x41: {  	_ =	shalt  }
0x42: {  	_ =	shalt  }
0x43: {  	_ =	shalt  }
0x44: {  	_ =	shalt  }
0x45: {  	_ =	shalt  }
0x46: {  	_ =	shalt  }
0x47: {  	_ =	shalt  }
0x48: {  	_ =	shalt  }
0x49: {  	_ =	shalt  }
0x4a: {  	_ =	shalt  }
0x4b: {  	_ =	shalt  }
0x4c: {  	_ =	shalt  }
0x4d: {  	_ =	shalt  }
0x4e: {  	_ =	shalt  }
0x4f: {  	_ =	shalt  }
0x50: {  	_ =	shalt  }
0x51: {  	_ =	shalt  }
0x52: {  	_ =	shalt  }
0x53: {  	_ =	shalt  }
0x54: {  	_ =	shalt  }
0x55: {  	_ =	shalt  }
0x56: {  	_ =	shalt  }
0x57: {  	_ =	shalt  }
0x58: {  	_ =	shalt  }
0x59: {  	_ =	shalt  }
0x5a: {  	_ =	shalt  }
0x5b: {  	_ =	shalt  }
0x5c: {  	_ =	shalt  }
0x5d: {  	_ =	shalt  }
0x5e: {  	_ =	shalt  }
0x5f: {  	_ =	shalt  }
0x60: {  	_ =	shalt  }
0x61: {  	_ =	shalt  }
0x62: {  	_ =	shalt  }
0x63: {  	_ =	shalt  }
0x64: {  	_ =	shalt  }
0x65: {  	_ =	shalt  }
0x66: {  	_ =	shalt  }
0x67: {  	_ =	shalt  }
0x68: {  	_ =	shalt  }
0x69: {  	_ =	shalt  }
0x6a: {  	_ =	shalt  }
0x6b: {  	_ =	shalt  }
0x6c: {  	_ =	shalt  }
0x6d: {  	_ =	shalt  }
0x6e: {  	_ =	shalt  }
0x6f: {  	_ =	shalt  }
0x70: {  	_ =	shalt  }
0x71: {  	_ =	shalt  }
0x72: {  	_ =	shalt  }
0x73: {  	_ =	shalt  }
0x74: {  	_ =	shalt  }
0x75: {  	_ =	shalt  }
0x76: {  	_ =	shalt  }
0x77: {  	_ =	shalt  }
0x78: {  	_ =	shalt  }
0x79: {  	_ =	shalt  }
0x7a: {  	_ =	shalt  }
0x7b: {  	_ =	shalt  }
0x7c: {  	_ =	shalt  }
0x7d: {  	_ =	shalt  }
0x7e: {  	_ =	shalt  }
0x7f: {  	_ =	shalt  }
0x80: {  	_ =	shalt  }
0x81: {  	_ =	shalt  }
0x82: {  	_ =	shalt  }
0x83: {  	_ =	shalt  }
0x84: {  	_ =	shalt  }
0x85: {  	_ =	shalt  }
0x86: {  	_ =	shalt  }
0x87: {  	_ =	shalt  }
.Lfunc_end0:
.L_simem_size_0:
called_computation_lowered:
.L_overlay_start_0:
0x88: {  	s2 =	sld [smem:$0x3FD9]  }
0x89: {  	s3 =	sld [smem:$0x3FFE];
	_ =	sdelay $0x1  }
0x8a: {  	s1 =	srdreg.scid  }
0x8b: {  	s0 =	sand.u32 $0x1, s1  }
0x8c: {  	s14 =	sshll.u32 s0, $0xA;
	s2 =	sadd.s32 s3, s2  }
0x8d: {  	s2 =	sadd.s32 s2, s14  }
0x8e: {  	[smem:$0x3FC2] =	sst s2  }
0x8f: {  	_ = 	snop  }
0x90: {  	s2 =	sld [smem:$0x3FD0];
	_ =	sdelay $0x2  }
0x91: {  	s15 =	simm.s32 $0xA;
	s4 =	simm.s32 $0x10  }
0x92: {  	[smem:s4], [sflag:s15] =	dma.local [hbm:s2], $0x1  }
0x93: {  	_ =	swait.eq [sflag:s15], $0x1  }
0x94: {  	[sflag:s15] =	ssyncset.done $0x0  }
0x95: {  	[sflag:s15] =	ssyncadd.s32 $0xFFFFFFFF  }
0x96: {  	s16 =	sld [smem:$0x11];
	(tm) =	ssettm $0x1  }
0x97: {  	s17 =	sld [smem:$0x3FFB];
	_ =	sdelay $0x3  }
0x98: {  	_ =	strace s17  }
0x99: {  	s3 =	sld [smem:$0x3FFC];
	_ =	sdelay $0x3  }
0x9a: {  	_ =	strace s3  }
0x9b: {  	s3 =	sld [smem:$0x3FFD];
	_ =	sdelay $0x3  }
0x9c: {  	_ =	strace s3  }
0x9d: {  	_ =	strace $0x8FFFFFFF  }
0x9e: {  	s18 =	sld [smem:$0x3FDB];
	_ =	sdelay $0x1  }
0x9f: {  	s19 =	simm.s32 $_scs_section_size  }
0xa0: {  	s5 =	simm.s32 $_size__tile_overlayer_lowered;
	s6 =	simm.s32 $_tile_overlayer_lowered  }
0xa1: {  	s22 =	simm.s32 $0x1BFF;
	s21 =	sshll.u32 s6, $0x1;
	s3 =	sadd.s32 s19, s18  }
0xa2: {  	s7 =	simm.s32 $0x0;
	s20 =	sshll.u32 s5, $0x1;
	s5 =	sadd.s32 s21, s3  }
0xa3: {  	[timem:s7], [sflag:s22] =	dma.local [hbm:s5], s20  }
0xa4: {  	_ =	swait.ge [sflag:s22], s20  }
0xa5: {  	s4 =	ssub.s32 $0x0, s20;
	[sflag:s22] =	ssyncset.done $0x0  }
0xa6: {  	[sflag:s22] =	ssyncadd.s32 s4;
	_ =	sdelay $0x1  }
0xa7: {  	s23 =	simm.s32 $0x1B8B  }
0xa8: {  	_ =	swait.ge [sflag:s23], $0x1  }
0xa9: {  	[sflag:s23] =	ssyncset.done $0x0  }
0xaa: {  	s25 =	simm.s32 $0x1B8E;
	s24 =	sld [smem:$0x3FFE];
	[sflag:s23] =	ssyncadd.s32 $0xFFFFFFFF  }
0xab: {  	s26 =	simm.s32 $execute0_lowered;
	[smem:$0x3FD2] =	sst s25  }
0xac: {  	s5 =	sshll.u32 s26, $0x1;
	_ =	strace $0x80000046;
	[dreg:$0x1] =	wrdreg $0xFFFFFFFF  }
0xad: {  	s28 =	simm.s32 $_size_execute0_lowered;
	s3 =	sadd.s32 s3, s5;
	[dreg:$0x0] =	wrdreg $0x0  }
0xae: {  	s5 =	sshll.u32 s28, $0x1;
	[dreg:$0x2] =	wrdreg s3  }
0xaf: {  	[dreg:$0x3] =	wrdreg s5  }
0xb0: {  	[dreg:$0x4] =	wrdreg $0xC0  }
0xb1: {  	_ =	task [dreg:s7], $0x5FFFF  }
0xb2: {  	[dreg:$0x1] =	wrdreg $0xFFFFFFFF  }
0xb3: {  	[dreg:$0x0] =	wrdreg $0x60  }
0xb4: {  	[dreg:$0x2] =	wrdreg s24  }
0xb5: {  	[dreg:$0x3] =	wrdreg s16  }
0xb6: {  	[dreg:$0x4] =	wrdreg $0x2A800  }
0xb7: {  	[dreg:$0x5] =	wrdreg $0x9  }
0xb8: {  	_ =	task.clear_ibuf [dreg:s7], $0x6FFFF;
	_ =	strace $0x90000046  }
0xb9: {  	s29 =	simm.s32 $0x9;
	_ =	strace $0x80000048  }
0xba: {  	_ =	swait.ge [sflag:s29], $0x1  }
0xbb: {  	[sflag:s29] =	ssyncadd.s32 $0xFFFFFFFF  }
0xbc: {  	_ =	strace $0x90000048  }
0xbd: {  	_ =	sfence  }
0xbe: {  	s30 =	sld [smem:$0x0];
	_ =	sdelay $0x2  }
0xbf: {  	s31 =	sshll.u32 s1, $0xD;
	s1 =	sshrl.u32 s1, $0x2  }
0xc0: {  	s3 =	sand.u32 $0x4000, s31;
	s1 =	sadd.s32 s1, s30  }
0xc1: {  	s0 =	sor.u32 s3, s0;
	s1 =	sshll.u32 s1, $0x11  }
0xc2: {  	s0 =	sor.u32 s1, s0  }
0xc3: {  	s0 =	sadd.s32 $0x8F2B, s0  }
0xc4: {  	[sflag:s0] =	ssyncadd.remote.s32 $0x1  }
0xc5: {  	_ =	sfence.sel $0xFFFF  }
0xc6: {  	[dreg:$0x0] =	wrdreg $0xFFFFFFFF;
	(pc) =	sbr.abs _section_cstart, $3  }
0xc7: {  	[dreg:$0x1] =	wrdreg $0xFFFFFFFF  }
0xc8: {  	_ =	task.clear_ibuf [dreg:s7], $0x2FFFF;
	_ =	strace $0x9FFFFFFF  }
0xc9: {  	(tm) =	ssettm $0x7FFFFFFF  }
tec
execute0_lowered:
.L_overlay_start_1:
0x0: {  	(tag) =	ssettag $0x1  }
0x1: {  	s1 =	srdreg.scid;
	s4 =	rddreg [dreg:$0x0]  }
0x2: {  	s0 =	stileid.u32;
	s6 =	rddreg [dreg:$0x1]  }
0x3: {  	s2 =	rddreg [dreg:$0x2];
	s3 =	simm.s32 $0x0;
	s10 =	simm.s32 $0x1  }
0x4: {  	s11 =	simm.s32 $0x80;
	s12 =	simm.s32 $0x2780;
	s15 =	simm.s32 $0x0  }
0x5: {  	s5 =	sand.u32 $0x1, s1;
	s30 =	sshll.u32 s0, $0x1;
	s8 =	smul.u32 $0x280, s0  }
0x6: {  	[smem:$0x7FF] =	sst s3;
	s1 =	sor.u32 s5, s30;
	s9 =	smul.u32 $0x2800, s5  }
0x7: {  	s13 =	sshll.u32 s0, $0x6;
	s5 =	ssub.s32 $0x2, s5;
	s7 =	smul.u32 $0x4F0, s1  }
0x8: {  	s13 =	sor.u32 $0x1C02, s13;
	s1 =	rddreg [dreg:$0x3];
	_ =	strace $0x80000047  }
0x9: {  	s31 =	sshrl.u32 s5, $0x1;
	s9 =	sadd.s32 s8, s9;
	s4 =	sadd.s32 s7, s4  }
0xa: {  	s7 =	ssub.s32 s5, s31;
	s9 =	sshrl.u32 s9, $0x3;
	s5 =	sadd.s32 s8, s2  }
0xb: {  	s8 =	simm.s32 $0x2800;
	s4 =	sadd.s32 $0xBA00, s4;
	s6 =	sadd.s32 s6, s9  }
0xc: {  	v0 =	vimm.f32 $1.000000000e+00;
	v1 =	vimm.f32 $0.0e+00;
	s7 =	smax.u32 s7, $0x1;
	s9 =	simm.s32 $0x2;
	s14 =	sshrl.u32 s5, $0x3  }
.LBB2_1:
0xd: {  	[tilespmem:s3], [sflag:$0x1] =	stream.linear.gather [hbm4b:s4+s3], $0x2780, $0x38;
	[tilespmem:$0x2D00] =	vst v63  }
0xe: {  	[tilespmem:$0x2780] =	vst v0  }
0xf: {  	[tilespmem:$0x2790] =	vst v0  }
0x10: {  	[tilespmem:$0x27A0] =	vst v0  }
0x11: {  	[tilespmem:$0x27B0] =	vst v0  }
0x12: {  	[tilespmem:$0x27C0] =	vst v0  }
0x13: {  	[tilespmem:$0x27D0] =	vst v0  }
0x14: {  	[tilespmem:$0x27E0] =	vst v0  }
0x15: {  	[tilespmem:$0x27F0] =	vst v0  }
0x16: {  	[tilespmem:$0x2800] =	vst v1  }
0x17: {  	[tilespmem:$0x2810] =	vst v1  }
0x18: {  	[tilespmem:$0x2820] =	vst v1  }
0x19: {  	[tilespmem:$0x2830] =	vst v1  }
0x1a: {  	[tilespmem:$0x2840] =	vst v1  }
0x1b: {  	[tilespmem:$0x2850] =	vst v1  }
0x1c: {  	[tilespmem:$0x2860] =	vst v1  }
0x1d: {  	[tilespmem:$0x2870] =	vst v1  }
0x1e: {  	[tilespmem:$0x2880] =	vst v1  }
0x1f: {  	[tilespmem:$0x2890] =	vst v1  }
0x20: {  	[tilespmem:$0x28A0] =	vst v1  }
0x21: {  	[tilespmem:$0x28B0] =	vst v1  }
0x22: {  	[tilespmem:$0x28C0] =	vst v1  }
0x23: {  	[tilespmem:$0x28D0] =	vst v1  }
0x24: {  	[tilespmem:$0x28E0] =	vst v1  }
0x25: {  	[tilespmem:$0x28F0] =	vst v1  }
0x26: {  	[tilespmem:$0x2900] =	vst v1  }
0x27: {  	[tilespmem:$0x2910] =	vst v1  }
0x28: {  	[tilespmem:$0x2920] =	vst v1  }
0x29: {  	[tilespmem:$0x2930] =	vst v1  }
0x2a: {  	[tilespmem:$0x2940] =	vst v1  }
0x2b: {  	[tilespmem:$0x2950] =	vst v1  }
0x2c: {  	[tilespmem:$0x2960] =	vst v1  }
0x2d: {  	[tilespmem:$0x2970] =	vst v1  }
0x2e: {  	[tilespmem:$0x2980] =	vst v1  }
0x2f: {  	[tilespmem:$0x2990] =	vst v1  }
0x30: {  	[tilespmem:$0x29A0] =	vst v1  }
0x31: {  	[tilespmem:$0x29B0] =	vst v1  }
0x32: {  	[tilespmem:$0x29C0] =	vst v1  }
0x33: {  	[tilespmem:$0x29D0] =	vst v1  }
0x34: {  	[tilespmem:$0x29E0] =	vst v1  }
0x35: {  	[tilespmem:$0x29F0] =	vst v1  }
0x36: {  	[tilespmem:$0x2A00] =	vst v1  }
0x37: {  	[tilespmem:$0x2A10] =	vst v1  }
0x38: {  	[tilespmem:$0x2A20] =	vst v1  }
0x39: {  	[tilespmem:$0x2A30] =	vst v1  }
0x3a: {  	[tilespmem:$0x2A40] =	vst v1  }
0x3b: {  	[tilespmem:$0x2A50] =	vst v1  }
0x3c: {  	[tilespmem:$0x2A60] =	vst v1  }
0x3d: {  	[tilespmem:$0x2A70] =	vst v1  }
0x3e: {  	[spmem:s5] =	stream.linear.scatter [tilespmem:s8], [sflag:$0x2], $0x280, $0x38;
	[tilespmem:$0x2D00] =	vst v63  }
0x3f: {  	_ =	swait.ge [sflag:s9], $0x280  }
0x40: {  	[sflag:s9] =	ssyncset.done $0x0  }
0x41: {  	[sflag:s9] =	ssyncadd.s32 $0xFFFFFD80  }
0x42: {  	[bflag:$0x0] =	sbarrier.arrive $0xFFFF  }
0x43: {  	_ =	swait.ge [sflag:s10], $0x2780  }
0x44: {  	[sflag:s10] =	ssyncset.done $0x0  }
0x45: {  	s16 =	simm.s32 $0x0;
	[sflag:s10] =	ssyncadd.s32 $0xFFFFD880  }
.LBB2_2:
0x46: {  	p0 =	sne.s32 s16, $0x9C00  }
.Ltmp0:
0x47: {  	_ = 	snop;
	(pc) =	sbr.rel @p0 .LBB2_2-.Ltmp0, $3  }
0x48: {  	_ =	sdelay $0x1  }
0x49: {  	s17 =	sshra.s32 s16, $0x2;
	s16 =	sadd.s32 $0x200, s16  }
0x4a: {  	[spmem:s2] =	stream.indirect.scatter.add.f32 [tilespmem:s12], [sflag:$0x1], $0x1, s17, s11, $0xb8;
	[tilespmem:$0x2D00] =	vst v63  }
0x4b: {  	_ =	swait.ge [sflag:s10], $0x80  }
0x4c: {  	s16 =	simm.s32 $0x4E;
	[sflag:s10] =	ssyncset.done $0x0  }
.LBB2_4:
0x4d: {  	p0 =	sne.s32 s16, $0x1;
	s16 =	sadd.s32 $0xFFFFFFFF, s16;
	[sflag:s10] =	ssyncadd.s32 $0xFFFFFF80  }
.Ltmp1:
0x4e: {  	(pc) =	sbr.rel @p0 .LBB2_4-.Ltmp1, $3  }
0x4f: {  	_ =	sdelay $0x1  }
0x50: {  	_ =	swait.ge [sflag:s10], $0x80  }
0x51: {  	[sflag:s10] =	ssyncset.done $0x0  }
0x52: {  	s15 =	sadd.s32 $0x1, s15  }
0x53: {  	[sflag:s10] =	ssyncadd.s32 $0xFFFFFF80;
	p0 =	sne.s32 s15, s7  }
.Ltmp2:
0x54: {  	[bflag:$0x0] =	sbarrier.arrive $0xFFFF;
	(pc) =	sbr.rel @p0 .LBB2_1-.Ltmp2, $4  }
0x55: {  	[hbm:s6], [sflag:s13] =	dma.local [spmem:s14], $0x50  }
0x56: {  	_ =	swait.ge [sflag:s9], $0x50  }
0x57: {  	[sflag:s9] =	ssyncset.done $0x0  }
0x58: {  	[sflag:s9] =	ssyncadd.s32 $0xFFFFFFB0  }
0x59: {  	_ =	sfence.sel $0x180000  }
0x5a: {  	[bflag:$0x0] =	sbarrier.arrive $0xFFFF  }
0x5b: {  	p0 =	sne.s32 s0, $0x0;
	_ =	strace $0x90000047  }
0x5c: {  	s0 =	sadd.s32 @!p0 $0x100000, s1;
	[bflag:$0x2] =	sbarrier.arrive $0xFFFF  }
0x5d: {  	[sflag:s0] =	ssyncadd.tile.s32 @!p0 $0x1;
	_ =	shalt  }
.Lfunc_end2:
_tile_overlayer_lowered:
.L_overlay_start_2:
0x5e: {  	(tag) =	ssettag $0x2  }
0x5f: {  	s0 =	rddreg [dreg:$0x0];
	s2 =	stileid.u32  }
0x60: {  	s1 =	rddreg [dreg:$0x1];
	p0 =	sne.s32 s2, $0x0  }
0x61: {  	s3 =	rddreg [dreg:$0x2];
	[bflag:$0x3] =	sbarrier.arrive $0xFFFF;
	s2 =	simm.s32 @!p0 $0x1C02  }
0x62: {  	[timem:s3], [sflag:s2] =	dma.local @!p0 [hbm:s0], s1  }
0x63: {  	s0 =	simm.s32 @!p0 $0x2  }
0x64: {  	_ =	swait.ge @!p0 [sflag:s0], s1  }
0x65: {  	s1 =	ssub.s32 @!p0 $0x0, s1;
	[sflag:s0] =	ssyncset.done @!p0 $0x0  }
0x66: {  	[sflag:s0] =	ssyncadd.s32 @!p0 s1  }
0x67: {  	[bflag:$0x3] =	sbarrier.arrive $0xFFFF  }
0x68: {  	_ =	shalt  }

</sc_bundles>
